<compile_context>
chip_gen: v7x
topology: tpu7x:2x2x1
jax: 0.10.2.dev20260603
libtpu: 0.0.44.dev20260713+nightly
codegen_flags: <defaults>
</compile_context>

<pallas_src>
import functools

import jax
import jax.numpy as jnp
from jax import lax
from jax.experimental import pallas as pl
from jax.experimental.pallas import tpu as pltpu
from jax.experimental.pallas import tpu_sc as plsc

N = 10000
NPAD = 10240
D = 128
E = 320000
EPAD = 327680
NW = 32
EPT = EPAD // NW
CH = 128
NCH = EPT // CH
NCH0 = 120
NCH1 = 40
NBUF = 2
RPT = NPAD // 16
NZC = RPT // CH
DEGW = 128
NG = 64
BLK = 512
NB = NPAD // BLK
NC = 16
NEG = 0.01



@functools.cache
def _build_deg_kernel():
    mesh = plsc.VectorSubcoreMesh(core_axis_name="c", subcore_axis_name="s")
    return pl.kernel(
        _deg_body,
        mesh=mesh,
        out_type=jax.ShapeDtypeStruct((2 * NPAD, DEGW), jnp.float32),
        scratch_types=[
            pltpu.VMEM((CH,), jnp.int32),
            pltpu.VMEM((CH, DEGW), jnp.float32),
            pltpu.VMEM_SHARED((NPAD, DEGW), jnp.float32),
        ],
    )


def _deg_body(dst_hbm, ones_hbm, zrow_hbm, out_hbm, didx, ones_v, acc_sh):
    c = lax.axis_index("c")
    s = lax.axis_index("s")
    wid = s * 2 + c

    pltpu.sync_copy(ones_hbm, ones_v)

    base_r = s * RPT

    def zinit(k, _):
        pltpu.sync_copy(zrow_hbm, acc_sh.at[pl.ds(base_r + k * CH, CH)])
        return 0

    lax.fori_loop(0, NZC, zinit, 0)
    plsc.subcore_barrier()

    ebase = wid * EPT

    def body(ch, _):
        pltpu.sync_copy(dst_hbm.at[pl.ds(ebase + ch * CH, CH)], didx)
        pltpu.sync_copy(ones_v, acc_sh.at[didx], add=True)
        return 0

    lax.fori_loop(0, NCH, body, 0)
    plsc.subcore_barrier()

    def wb(k, _):
        r = base_r + k * CH
        pltpu.sync_copy(acc_sh.at[pl.ds(r, CH)],
                        out_hbm.at[pl.ds(c * NPAD + r, CH)])
        return 0

    lax.fori_loop(0, NZC, wb, 0)



@functools.cache
def _build_agg_kernel():
    mesh = plsc.VectorSubcoreMesh(core_axis_name="c", subcore_axis_name="s")
    return pl.kernel(
        _agg_body,
        mesh=mesh,
        out_type=jax.ShapeDtypeStruct((2 * NPAD, D), jnp.float32),
        scratch_types=(
            [pltpu.VMEM((CH,), jnp.int32) for _ in range(2 * NBUF)]
            + [pltpu.VMEM((CH, D), jnp.float32) for _ in range(NBUF)]
            + [pltpu.VMEM_SHARED((NPAD, D), jnp.float32)]
            + [pltpu.SemaphoreType.DMA for _ in range(NBUF)]
        ),
    )


def _agg_body(y_hbm, src_hbm, dst_hbm, zrows_hbm, out_hbm, *scr):
    sidx = scr[0:NBUF]
    didx = scr[NBUF:2 * NBUF]
    rows = scr[2 * NBUF:3 * NBUF]
    acc_sh = scr[3 * NBUF]
    sem = scr[3 * NBUF + 1:]
    c = lax.axis_index("c")
    s = lax.axis_index("s")

    base_r = s * RPT

    def zinit(k, _):
        pltpu.sync_copy(zrows_hbm, acc_sh.at[pl.ds(base_r + k * CH, CH)])
        return 0

    lax.fori_loop(0, NZC, zinit, 0)
    plsc.subcore_barrier()

    my_nch = jnp.where(c == 0, NCH0, NCH1)
    ebase = s * (NCH0 + NCH1) * CH + c * (NCH0 * CH)

    for b in range(NBUF):
        pltpu.sync_copy(src_hbm.at[pl.ds(ebase + b * CH, CH)], sidx[b])
        pltpu.sync_copy(dst_hbm.at[pl.ds(ebase + b * CH, CH)], didx[b])
        pltpu.async_copy(y_hbm.at[sidx[b]], rows[b], sem[b])

    def body(i, _):
        eb = ebase + NBUF * i * CH
        for b in range(NBUF):
            pltpu.make_async_copy(y_hbm.at[sidx[b]], rows[b], sem[b]).wait()
            pltpu.sync_copy(rows[b], acc_sh.at[didx[b]], add=True)
            nb = eb + (b + NBUF) * CH
            pltpu.sync_copy(src_hbm.at[pl.ds(nb, CH)], sidx[b])
            pltpu.sync_copy(dst_hbm.at[pl.ds(nb, CH)], didx[b])
            pltpu.async_copy(y_hbm.at[sidx[b]], rows[b], sem[b])
        return 0

    lax.fori_loop(0, my_nch // NBUF, body, 0)
    for b in range(NBUF):
        pltpu.make_async_copy(y_hbm.at[sidx[b]], rows[b], sem[b]).wait()
    plsc.subcore_barrier()

    def wb(k, _):
        r = base_r + k * CH
        pltpu.sync_copy(acc_sh.at[pl.ds(r, CH)],
                        out_hbm.at[pl.ds(c * NPAD + r, CH)])
        return 0

    lax.fori_loop(0, NZC, wb, 0)



def _dinv_block(deg_ref, i):
    deg = deg_ref[0, :, 0:1] + deg_ref[1, :, 0:1] + 1.0
    rows = i * BLK + lax.broadcasted_iota(jnp.int32, (BLK, 1), 0)
    return jnp.where(rows < N, lax.rsqrt(deg), 0.0)


def _mm_scale_body(x_ref, w_ref, deg_ref, y_ref):
    i = pl.program_id(0)
    dinv = _dinv_block(deg_ref, i)
    y_ref[...] = dinv * jnp.dot(x_ref[...], w_ref[...],
                                preferred_element_type=jnp.float32)


def _layer2_body(agg_ref, y_ref, deg_ref, b1_ref, w2_ref, out_ref):
    i = pl.program_id(0)
    dinv = _dinv_block(deg_ref, i)
    h = dinv * (agg_ref[0] + agg_ref[1] + y_ref[...]) + b1_ref[...]
    h = jnp.where(h > 0, h, NEG * h)
    out_ref[...] = dinv * jnp.dot(h, w2_ref[...],
                                  preferred_element_type=jnp.float32)


def _pool_head_body(agg_ref, y_ref, deg_ref, b2_ref, batch_ref,
                    wl_ref, bl_ref, wo_ref, bo_ref,
                    logits_ref, probs_ref, embeds_ref, acc_ref):
    i = pl.program_id(0)

    @pl.when(i == 0)
    def _():
        acc_ref[...] = jnp.full((NG, D), -jnp.inf, jnp.float32)

    dinv = _dinv_block(deg_ref, i)
    h = dinv * (agg_ref[0] + agg_ref[1] + y_ref[...]) + b2_ref[...]

    b = batch_ref[...]
    g_lo = jnp.min(b)
    g_hi = jnp.minimum(jnp.max(b), NG - 1)

    def seg(g, _):
        vals = jnp.where(b == g, h, -jnp.inf)
        m = jnp.max(vals, axis=0, keepdims=True)
        acc_ref[pl.ds(g, 1), :] = jnp.maximum(acc_ref[pl.ds(g, 1), :], m)
        return 0

    lax.fori_loop(g_lo, g_hi + 1, seg, 0)

    @pl.when(i == NB - 1)
    def _():
        pooled = acc_ref[...]
        embeds = jnp.where(pooled == -jnp.inf, 0.0, pooled)
        g1 = jnp.dot(embeds, wl_ref[...],
                     preferred_element_type=jnp.float32) + bl_ref[...]
        g1 = jnp.where(g1 > 0, g1, NEG * g1)
        logits = jnp.dot(g1, wo_ref[...],
                         preferred_element_type=jnp.float32) + bo_ref[...]
        m = jnp.max(logits, axis=-1, keepdims=True)
        ex = jnp.exp(logits - m)
        probs = ex / jnp.sum(ex, axis=-1, keepdims=True)
        logits_ref[...] = logits
        probs_ref[...] = probs
        embeds_ref[...] = embeds


def _mm_scale(x_pad, W1, deg2):
    return pl.pallas_call(
        _mm_scale_body,
        grid=(NB,),
        in_specs=[
            pl.BlockSpec((BLK, D), lambda i: (i, 0)),
            pl.BlockSpec((D, D), lambda i: (0, 0)),
            pl.BlockSpec((2, BLK, DEGW), lambda i: (0, i, 0)),
        ],
        out_specs=pl.BlockSpec((BLK, D), lambda i: (i, 0)),
        out_shape=jax.ShapeDtypeStruct((NPAD, D), jnp.float32),
    )(x_pad, W1, deg2)


def _layer2(agg1, y1, deg2, b1r, W2):
    return pl.pallas_call(
        _layer2_body,
        grid=(NB,),
        in_specs=[
            pl.BlockSpec((2, BLK, D), lambda i: (0, i, 0)),
            pl.BlockSpec((BLK, D), lambda i: (i, 0)),
            pl.BlockSpec((2, BLK, DEGW), lambda i: (0, i, 0)),
            pl.BlockSpec((1, D), lambda i: (0, 0)),
            pl.BlockSpec((D, D), lambda i: (0, 0)),
        ],
        out_specs=pl.BlockSpec((BLK, D), lambda i: (i, 0)),
        out_shape=jax.ShapeDtypeStruct((NPAD, D), jnp.float32),
    )(agg1, y1, deg2, b1r, W2)


def _pool_head(agg2, y2, deg2, b2r, batch_bc, Wl, blr, Wo, bor):
    return pl.pallas_call(
        _pool_head_body,
        grid=(NB,),
        in_specs=[
            pl.BlockSpec((2, BLK, D), lambda i: (0, i, 0)),
            pl.BlockSpec((BLK, D), lambda i: (i, 0)),
            pl.BlockSpec((2, BLK, DEGW), lambda i: (0, i, 0)),
            pl.BlockSpec((1, D), lambda i: (0, 0)),
            pl.BlockSpec((BLK, D), lambda i: (i, 0)),
            pl.BlockSpec((D, D), lambda i: (0, 0)),
            pl.BlockSpec((1, D), lambda i: (0, 0)),
            pl.BlockSpec((D, NC), lambda i: (0, 0)),
            pl.BlockSpec((1, NC), lambda i: (0, 0)),
        ],
        out_specs=[
            pl.BlockSpec((NG, NC), lambda i: (0, 0)),
            pl.BlockSpec((NG, NC), lambda i: (0, 0)),
            pl.BlockSpec((NG, D), lambda i: (0, 0)),
        ],
        out_shape=[
            jax.ShapeDtypeStruct((NG, NC), jnp.float32),
            jax.ShapeDtypeStruct((NG, NC), jnp.float32),
            jax.ShapeDtypeStruct((NG, D), jnp.float32),
        ],
        scratch_shapes=[pltpu.VMEM((NG, D), jnp.float32)],
    )(agg2, y2, deg2, b2r, batch_bc, Wl, blr, Wo, bor)


def kernel(x, edge_index, batch, W1, b1, W2, b2, Wl, bl, Wo, bo):
    src = edge_index[0].astype(jnp.int32)
    dst = edge_index[1].astype(jnp.int32)
    pad_idx = jnp.full((EPAD - E + NBUF * CH,), N, jnp.int32)
    srcp = jnp.concatenate([src, pad_idx])
    dstp = jnp.concatenate([dst, pad_idx])
    x_pad = jnp.pad(x, ((0, NPAD - N), (0, 0)))
    batch_pad = jnp.pad(batch.astype(jnp.int32), (0, NPAD - N),
                        constant_values=127)
    batch_bc = jnp.broadcast_to(batch_pad[:, None], (NPAD, D))
    b1r = b1.reshape(1, D)
    b2r = b2.reshape(1, D)
    blr = bl.reshape(1, D)
    bor = bo.reshape(1, NC)

    ones_row = jnp.ones((CH, DEGW), jnp.float32)
    zrow = jnp.zeros((CH, DEGW), jnp.float32)
    zrows = jnp.zeros((CH, D), jnp.float32)

    pos = jnp.arange(EPAD + NBUF * CH, dtype=jnp.int32)
    blk = (pos // CH) % (NCH0 + NCH1)
    srcp = srcp + jnp.where(blk >= NCH0, NPAD, 0).astype(jnp.int32)

    deg_fn = _build_deg_kernel()
    agg_fn = _build_agg_kernel()
    deg2 = deg_fn(dstp, ones_row, zrow).reshape(2, NPAD, DEGW)
    y1 = _mm_scale(x_pad, W1, deg2)
    y1d = jnp.concatenate([y1, y1], axis=0)
    agg1 = agg_fn(y1d, srcp, dstp, zrows).reshape(2, NPAD, D)
    y2 = _layer2(agg1, y1, deg2, b1r, W2)
    y2d = jnp.concatenate([y2, y2], axis=0)
    agg2 = agg_fn(y2d, srcp, dstp, zrows).reshape(2, NPAD, D)
    logits, probs, embeds = _pool_head(agg2, y2, deg2, b2r, batch_bc,
                                       Wl, blr, Wo, bor)
    return (logits, probs, embeds)

# --- scband reference (transcript-rebuilt; emitter-appended) ---
"""Pipeline reference for scband-original-max-pool-simple-gcnclassifier-25202868093058 (READ-ONLY COPY).

The authoritative reference and input builder live on the scoring server;
editing this copy changes nothing except your own understanding.
"""

import jax, jax.numpy as jnp
import numpy as np

N_NODES = 10000
N_EDGES = 320000
D_FEAT = 128
HIDDEN = 128
NUM_CLASSES = 16
NUM_GRAPHS = 64
NEG_SLOPE = 0.01


def setup_inputs(seed: int = 0) -> dict:
    key = jax.random.key(seed)
    ks = jax.random.split(key, 12)
    x = jax.random.normal(ks[0], (N_NODES, D_FEAT), dtype=jnp.float32)
    edge_index = jax.random.randint(ks[1], (2, N_EDGES), 0, N_NODES, dtype=jnp.int64)
    batch = jnp.sort(jax.random.randint(ks[2], (N_NODES,), 0, NUM_GRAPHS, dtype=jnp.int64))
    def glorot(k, shape):
        lim = float(np.sqrt(6.0 / (shape[0] + shape[1])))
        return jax.random.uniform(k, shape, dtype=jnp.float32, minval=-lim, maxval=lim)
    W1 = glorot(ks[3], (D_FEAT, HIDDEN)); b1 = jnp.zeros((HIDDEN,), jnp.float32)
    W2 = glorot(ks[4], (HIDDEN, HIDDEN)); b2 = jnp.zeros((HIDDEN,), jnp.float32)
    Wl = glorot(ks[5], (HIDDEN, HIDDEN)); bl = jnp.zeros((HIDDEN,), jnp.float32)
    Wo = glorot(ks[6], (HIDDEN, NUM_CLASSES)); bo = jnp.zeros((NUM_CLASSES,), jnp.float32)
    return {"x": x, "edge_index": edge_index, "batch": batch,
            "W1": W1, "b1": b1, "W2": W2, "b2": b2,
            "Wl": Wl, "bl": bl, "Wo": Wo, "bo": bo}


def gcn_conv(x, src, dst, norm, W, b, n_nodes):
    # x' = D^-1/2 (A + I) D^-1/2 X W + b  (GCNConv, add_self_loops=True)
    xw = x @ W
    msg = xw[src] * norm[:, None]                      # gather over src
    out = jnp.zeros((n_nodes, W.shape[1]), xw.dtype).at[dst].add(msg)  # scatter-add at dst
    return out + b


def reference(x, edge_index, batch, W1, b1, W2, b2, Wl, bl, Wo, bo):
    n = x.shape[0]
    src0, dst0 = edge_index[0], edge_index[1]
    sl = jnp.arange(n, dtype=edge_index.dtype)
    src = jnp.concatenate([src0, sl])
    dst = jnp.concatenate([dst0, sl])
    ones = jnp.ones(src.shape[0], jnp.float32)
    deg = jnp.zeros((n,), jnp.float32).at[dst].add(ones)
    dinv = jnp.where(deg > 0, deg ** -0.5, 0.0)
    norm = dinv[src] * dinv[dst]

    h = gcn_conv(x, src, dst, norm, W1, b1, n)
    h = jax.nn.leaky_relu(h, NEG_SLOPE)   # act between layers (BasicGNN)
    h = gcn_conv(h, src, dst, norm, W2, b2, n)  # no act after last conv

    # global max pool over the batch vector
    pooled = jax.ops.segment_max(h, batch, num_segments=NUM_GRAPHS)
    embeds = jnp.where(jnp.isneginf(pooled), 0.0, pooled)

    g = embeds @ Wl + bl
    g = jax.nn.leaky_relu(g, NEG_SLOPE)
    logits = g @ Wo + bo
    probs = jax.nn.softmax(logits, axis=-1)
    return (logits, probs, embeds)

if __name__ == "__main__":
    import jax
    _d = setup_inputs()
    print(jax.jit(kernel)(*tuple(_d.values())))

</pallas_src>

<mosaic_0001>
#map = affine_map<(d0, d1) -> (0)>
#map1 = affine_map<(d0, d1) -> (0, 0)>
module attributes {stable_mosaic.version = 14 : i64} {
  func.func @_deg_body(%arg0: i32, %arg1: i32, %arg2: memref<327936xi32, #tpu.memory_space<hbm>>, %arg3: memref<128x128xf32, #tpu.memory_space<hbm>>, %arg4: memref<128x128xf32, #tpu.memory_space<hbm>>, %arg5: memref<20480x128xf32, #tpu.memory_space<hbm>>, %arg6: memref<128xi32, #tpu.memory_space<vmem>>, %arg7: memref<128x128xf32, #tpu.memory_space<vmem>>, %arg8: memref<10240x128xf32, #tpu.memory_space<vmem_shared>>) attributes {dimension_semantics = [#tpu.dimension_semantics<core_parallel>, #tpu.dimension_semantics<subcore_parallel>], iteration_bounds = array<i64: 2, 16>, scalar_prefetch = 0 : i64, scratch_operands = 3 : i64, tpu.core_type = #tpu.core_type<sc_vector_subcore>, window_params = [{transform_indices = #map}, {transform_indices = #map1}, {transform_indices = #map1}, {transform_indices = #map1}]} {
    %mul3A = arith.constant 2 : i32
    %mul3A_0 = arith.muli %arg1, %mul3A : i32
    %add3A = arith.addi %mul3A_0, %arg0 : i32
    "tpu.region"() ({
      %run_scoped3A = tpu.sem_alloc : memref<!tpu.dma_semaphore, #tpu.memory_space<semaphore_mem>>
      tpu.enqueue_dma source(%arg3 : memref<128x128xf32, #tpu.memory_space<hbm>>) target(%arg7 : memref<128x128xf32, #tpu.memory_space<vmem>>) target_semaphore(%run_scoped3A : memref<!tpu.dma_semaphore, #tpu.memory_space<semaphore_mem>>)
      tpu.wait_dma2 semaphore(%run_scoped3A : memref<!tpu.dma_semaphore, #tpu.memory_space<semaphore_mem>>) src(%arg3 : memref<128x128xf32, #tpu.memory_space<hbm>>) dst(%arg7 : memref<128x128xf32, #tpu.memory_space<vmem>>)
      tpu.yield
    }) : () -> ()
    %mul3A_1 = arith.constant 640 : i32
    %mul3A_2 = arith.muli %arg1, %mul3A_1 : i32
    %scan3A = arith.constant 0 : i32
    %scan3A_3 = arith.constant 0 : i32
    %scan3A_4 = arith.constant 5 : i32
    %scan3A_5 = arith.addi %scan3A_3, %scan3A_4 : i32
    %scan3A_6 = arith.constant 1 : i32
    %scan3A_7 = scf.for %scan3A_26 = %scan3A_3 to %scan3A_5 step %scan3A_6 iter_args(%scan3A_27 = %scan3A) -> (i32)  : i32 {
      %mul3A_28 = arith.constant 128 : i32
      %mul3A_29 = arith.muli %scan3A_26, %mul3A_28 : i32
      %add3A_30 = arith.addi %mul3A_2, %mul3A_29 : i32
      "tpu.region"() ({
        %run_scoped3A = tpu.sem_alloc : memref<!tpu.dma_semaphore, #tpu.memory_space<semaphore_mem>>
        %dma_start3A = arith.constant 0 : i32
        %dma_start3A_32 = tpu.memref_slice %arg8[%add3A_30, %dma_start3A] : memref<10240x128xf32, #tpu.memory_space<vmem_shared>> -> memref<128x128xf32, #tpu.memory_space<vmem_shared>>
        tpu.enqueue_dma source(%arg4 : memref<128x128xf32, #tpu.memory_space<hbm>>) target(%dma_start3A_32 : memref<128x128xf32, #tpu.memory_space<vmem_shared>>) target_semaphore(%run_scoped3A : memref<!tpu.dma_semaphore, #tpu.memory_space<semaphore_mem>>)
        %dma_wait3A = arith.constant 0 : i32
        %dma_wait3A_33 = tpu.memref_slice %arg8[%add3A_30, %dma_wait3A] : memref<10240x128xf32, #tpu.memory_space<vmem_shared>> -> memref<128x128xf32, #tpu.memory_space<vmem_shared>>
        tpu.wait_dma2 semaphore(%run_scoped3A : memref<!tpu.dma_semaphore, #tpu.memory_space<semaphore_mem>>) src(%arg4 : memref<128x128xf32, #tpu.memory_space<hbm>>) dst(%dma_wait3A_33 : memref<128x128xf32, #tpu.memory_space<vmem_shared>>)
        tpu.yield
      }) : () -> ()
      %scan3A_31 = arith.constant 0 : i32
      scf.yield %scan3A_31 : i32
    }
    %scan3A_8 = arith.constant 5 : i32
    %barrier3A = arith.constant 0 : index
    tpu.barrier barrier_id(%barrier3A)
    %mul3A_9 = arith.constant 10240 : i32
    %mul3A_10 = arith.muli %add3A, %mul3A_9 : i32
    %scan3A_11 = arith.constant 0 : i32
    %scan3A_12 = arith.constant 0 : i32
    %scan3A_13 = arith.constant 80 : i32
    %scan3A_14 = arith.addi %scan3A_12, %scan3A_13 : i32
    %scan3A_15 = arith.constant 1 : i32
    %scan3A_16 = scf.for %scan3A_26 = %scan3A_12 to %scan3A_14 step %scan3A_15 iter_args(%scan3A_27 = %scan3A_11) -> (i32)  : i32 {
      %mul3A_28 = arith.constant 128 : i32
      %mul3A_29 = arith.muli %scan3A_26, %mul3A_28 : i32
      %add3A_30 = arith.addi %mul3A_10, %mul3A_29 : i32
      "tpu.region"() ({
        %run_scoped3A = tpu.sem_alloc : memref<!tpu.dma_semaphore, #tpu.memory_space<semaphore_mem>>
        %dma_start3A = tpu.memref_slice %arg2[%add3A_30] : memref<327936xi32, #tpu.memory_space<hbm>> -> memref<128xi32, #tpu.memory_space<hbm>>
        %dma_start3A_32 = tpu.memref_slice %arg2[%add3A_30] : memref<327936xi32, #tpu.memory_space<hbm>> -> memref<128xi32, #tpu.memory_space<hbm>>
        tpu.enqueue_dma source(%dma_start3A_32 : memref<128xi32, #tpu.memory_space<hbm>>) target(%arg6 : memref<128xi32, #tpu.memory_space<vmem>>) target_semaphore(%run_scoped3A : memref<!tpu.dma_semaphore, #tpu.memory_space<semaphore_mem>>)
        %dma_wait3A = tpu.memref_slice %arg2[%add3A_30] : memref<327936xi32, #tpu.memory_space<hbm>> -> memref<128xi32, #tpu.memory_space<hbm>>
        %dma_wait3A_33 = tpu.memref_slice %arg2[%add3A_30] : memref<327936xi32, #tpu.memory_space<hbm>> -> memref<128xi32, #tpu.memory_space<hbm>>
        tpu.wait_dma2 semaphore(%run_scoped3A : memref<!tpu.dma_semaphore, #tpu.memory_space<semaphore_mem>>) src(%dma_wait3A_33 : memref<128xi32, #tpu.memory_space<hbm>>) dst(%arg6 : memref<128xi32, #tpu.memory_space<vmem>>)
        tpu.yield
      }) : () -> ()
      "tpu.region"() ({
        %run_scoped3A = tpu.sem_alloc : memref<!tpu.dma_semaphore, #tpu.memory_space<semaphore_mem>>
        %dma_start3A = arith.constant 0 : i32
        %dma_start3A_32 = arith.constant 0 : i32
        %dma_start3A_33 = tpu.memref_slice %arg8[%dma_start3A, %dma_start3A_32] : memref<10240x128xf32, #tpu.memory_space<vmem_shared>> -> memref<10240x128xf32, #tpu.memory_space<vmem_shared>>
        tpu.enqueue_indirect_dma source(%arg7 : memref<128x128xf32, #tpu.memory_space<vmem>>) target(%dma_start3A_33 : memref<10240x128xf32, #tpu.memory_space<vmem_shared>>) offsets(%arg6 : memref<128xi32, #tpu.memory_space<vmem>>) semaphore(%run_scoped3A : memref<!tpu.dma_semaphore, #tpu.memory_space<semaphore_mem>>) {add = true}
        %dma_wait3A = arith.constant 0 : i32
        %dma_wait3A_34 = arith.constant 0 : i32
        %dma_wait3A_35 = tpu.memref_slice %arg8[%dma_wait3A, %dma_wait3A_34] : memref<10240x128xf32, #tpu.memory_space<vmem_shared>> -> memref<10240x128xf32, #tpu.memory_space<vmem_shared>>
        tpu.wait_indirect_dma semaphore(%run_scoped3A : memref<!tpu.dma_semaphore, #tpu.memory_space<semaphore_mem>>) src(%arg7 : memref<128x128xf32, #tpu.memory_space<vmem>>) dst(%dma_wait3A_35 : memref<10240x128xf32, #tpu.memory_space<vmem_shared>>)
        tpu.yield
      }) : () -> ()
      %scan3A_31 = arith.constant 0 : i32
      scf.yield %scan3A_31 : i32
    }
    %scan3A_17 = arith.constant 80 : i32
    %barrier3A_18 = arith.constant 0 : index
    tpu.barrier barrier_id(%barrier3A_18)
    %scan3A_19 = arith.constant 0 : i32
    %scan3A_20 = arith.constant 0 : i32
    %scan3A_21 = arith.constant 5 : i32
    %scan3A_22 = arith.addi %scan3A_20, %scan3A_21 : i32
    %scan3A_23 = arith.constant 1 : i32
    %scan3A_24 = scf.for %scan3A_26 = %scan3A_20 to %scan3A_22 step %scan3A_23 iter_args(%scan3A_27 = %scan3A_19) -> (i32)  : i32 {
      %mul3A_28 = arith.constant 128 : i32
      %mul3A_29 = arith.muli %scan3A_26, %mul3A_28 : i32
      %add3A_30 = arith.addi %mul3A_2, %mul3A_29 : i32
      %mul3A_31 = arith.constant 10240 : i32
      %mul3A_32 = arith.muli %arg0, %mul3A_31 : i32
      %add3A_33 = arith.addi %mul3A_32, %add3A_30 : i32
      "tpu.region"() ({
        %run_scoped3A = tpu.sem_alloc : memref<!tpu.dma_semaphore, #tpu.memory_space<semaphore_mem>>
        %dma_start3A = arith.constant 0 : i32
        %dma_start3A_35 = tpu.memref_slice %arg5[%add3A_33, %dma_start3A] : memref<20480x128xf32, #tpu.memory_space<hbm>> -> memref<128x128xf32, #tpu.memory_space<hbm>>
        %dma_start3A_36 = arith.constant 0 : i32
        %dma_start3A_37 = tpu.memref_slice %arg8[%add3A_30, %dma_start3A_36] : memref<10240x128xf32, #tpu.memory_space<vmem_shared>> -> memref<128x128xf32, #tpu.memory_space<vmem_shared>>
        tpu.enqueue_dma source(%dma_start3A_37 : memref<128x128xf32, #tpu.memory_space<vmem_shared>>) target(%dma_start3A_35 : memref<128x128xf32, #tpu.memory_space<hbm>>) target_semaphore(%run_scoped3A : memref<!tpu.dma_semaphore, #tpu.memory_space<semaphore_mem>>)
        %dma_wait3A = arith.constant 0 : i32
        %dma_wait3A_38 = tpu.memref_slice %arg5[%add3A_33, %dma_wait3A] : memref<20480x128xf32, #tpu.memory_space<hbm>> -> memref<128x128xf32, #tpu.memory_space<hbm>>
        %dma_wait3A_39 = arith.constant 0 : i32
        %dma_wait3A_40 = tpu.memref_slice %arg8[%add3A_30, %dma_wait3A_39] : memref<10240x128xf32, #tpu.memory_space<vmem_shared>> -> memref<128x128xf32, #tpu.memory_space<vmem_shared>>
        tpu.wait_dma2 semaphore(%run_scoped3A : memref<!tpu.dma_semaphore, #tpu.memory_space<semaphore_mem>>) src(%dma_wait3A_40 : memref<128x128xf32, #tpu.memory_space<vmem_shared>>) dst(%dma_wait3A_38 : memref<128x128xf32, #tpu.memory_space<hbm>>)
        tpu.yield
      }) : () -> ()
      %scan3A_34 = arith.constant 0 : i32
      scf.yield %scan3A_34 : i32
    }
    %scan3A_25 = arith.constant 5 : i32
    return
  }
}

#map = affine_map<(d0, d1) -> (0, 0)>
#map1 = affine_map<(d0, d1) -> (0)>
module attributes {stable_mosaic.version = 14 : i64} {
  func.func @_agg_body(%arg0: i32, %arg1: i32, %arg2: memref<20480x128xf32, #tpu.memory_space<hbm>>, %arg3: memref<327936xi32, #tpu.memory_space<hbm>>, %arg4: memref<327936xi32, #tpu.memory_space<hbm>>, %arg5: memref<128x128xf32, #tpu.memory_space<hbm>>, %arg6: memref<20480x128xf32, #tpu.memory_space<hbm>>, %arg7: memref<128xi32, #tpu.memory_space<vmem>>, %arg8: memref<128xi32, #tpu.memory_space<vmem>>, %arg9: memref<128xi32, #tpu.memory_space<vmem>>, %arg10: memref<128xi32, #tpu.memory_space<vmem>>, %arg11: memref<128x128xf32, #tpu.memory_space<vmem>>, %arg12: memref<128x128xf32, #tpu.memory_space<vmem>>, %arg13: memref<10240x128xf32, #tpu.memory_space<vmem_shared>>, %arg14: memref<!tpu.dma_semaphore, #tpu.memory_space<semaphore_mem>>, %arg15: memref<!tpu.dma_semaphore, #tpu.memory_space<semaphore_mem>>) attributes {dimension_semantics = [#tpu.dimension_semantics<core_parallel>, #tpu.dimension_semantics<subcore_parallel>], iteration_bounds = array<i64: 2, 16>, scalar_prefetch = 0 : i64, scratch_operands = 9 : i64, tpu.core_type = #tpu.core_type<sc_vector_subcore>, window_params = [{transform_indices = #map}, {transform_indices = #map1}, {transform_indices = #map1}, {transform_indices = #map}, {transform_indices = #map}]} {
    %mul3A = arith.constant 640 : i32
    %mul3A_0 = arith.muli %arg1, %mul3A : i32
    %scan3A = arith.constant 0 : i32
    %scan3A_1 = arith.constant 0 : i32
    %scan3A_2 = arith.constant 5 : i32
    %scan3A_3 = arith.addi %scan3A_1, %scan3A_2 : i32
    %scan3A_4 = arith.constant 1 : i32
    %scan3A_5 = scf.for %scan3A_70 = %scan3A_1 to %scan3A_3 step %scan3A_4 iter_args(%scan3A_71 = %scan3A) -> (i32)  : i32 {
      %mul3A_72 = arith.constant 128 : i32
      %mul3A_73 = arith.muli %scan3A_70, %mul3A_72 : i32
      %add3A_74 = arith.addi %mul3A_0, %mul3A_73 : i32
      "tpu.region"() ({
        %run_scoped3A = tpu.sem_alloc : memref<!tpu.dma_semaphore, #tpu.memory_space<semaphore_mem>>
        %dma_start3A_76 = arith.constant 0 : i32
        %dma_start3A_77 = tpu.memref_slice %arg13[%add3A_74, %dma_start3A_76] : memref<10240x128xf32, #tpu.memory_space<vmem_shared>> -> memref<128x128xf32, #tpu.memory_space<vmem_shared>>
        tpu.enqueue_dma source(%arg5 : memref<128x128xf32, #tpu.memory_space<hbm>>) target(%dma_start3A_77 : memref<128x128xf32, #tpu.memory_space<vmem_shared>>) target_semaphore(%run_scoped3A : memref<!tpu.dma_semaphore, #tpu.memory_space<semaphore_mem>>)
        %dma_wait3A_78 = arith.constant 0 : i32
        %dma_wait3A_79 = tpu.memref_slice %arg13[%add3A_74, %dma_wait3A_78] : memref<10240x128xf32, #tpu.memory_space<vmem_shared>> -> memref<128x128xf32, #tpu.memory_space<vmem_shared>>
        tpu.wait_dma2 semaphore(%run_scoped3A : memref<!tpu.dma_semaphore, #tpu.memory_space<semaphore_mem>>) src(%arg5 : memref<128x128xf32, #tpu.memory_space<hbm>>) dst(%dma_wait3A_79 : memref<128x128xf32, #tpu.memory_space<vmem_shared>>)
        tpu.yield
      }) : () -> ()
      %scan3A_75 = arith.constant 0 : i32
      scf.yield %scan3A_75 : i32
    }
    %scan3A_6 = arith.constant 5 : i32
    %barrier3A = arith.constant 0 : index
    tpu.barrier barrier_id(%barrier3A)
    %eq3A = arith.constant 0 : i32
    %eq3A_7 = arith.cmpi eq, %arg0, %eq3A : i32
    %jit3A = arith.constant 120 : i32
    %jit3A_8 = arith.constant 40 : i32
    %select_n3A = arith.select %eq3A_7, %jit3A, %jit3A_8 : i32
    %mul3A_9 = arith.constant 160 : i32
    %mul3A_10 = arith.muli %arg1, %mul3A_9 : i32
    %mul3A_11 = arith.constant 128 : i32
    %mul3A_12 = arith.muli %mul3A_10, %mul3A_11 : i32
    %mul3A_13 = arith.constant 15360 : i32
    %mul3A_14 = arith.muli %arg0, %mul3A_13 : i32
    %add3A = arith.addi %mul3A_12, %mul3A_14 : i32
    %add3A_15 = arith.constant 0 : i32
    %add3A_16 = arith.addi %add3A, %add3A_15 : i32
    "tpu.region"() ({
      %run_scoped3A = tpu.sem_alloc : memref<!tpu.dma_semaphore, #tpu.memory_space<semaphore_mem>>
      %dma_start3A_70 = tpu.memref_slice %arg3[%add3A_16] : memref<327936xi32, #tpu.memory_space<hbm>> -> memref<128xi32, #tpu.memory_space<hbm>>
      %dma_start3A_71 = tpu.memref_slice %arg3[%add3A_16] : memref<327936xi32, #tpu.memory_space<hbm>> -> memref<128xi32, #tpu.memory_space<hbm>>
      tpu.enqueue_dma source(%dma_start3A_71 : memref<128xi32, #tpu.memory_space<hbm>>) target(%arg7 : memref<128xi32, #tpu.memory_space<vmem>>) target_semaphore(%run_scoped3A : memref<!tpu.dma_semaphore, #tpu.memory_space<semaphore_mem>>)
      %dma_wait3A_72 = tpu.memref_slice %arg3[%add3A_16] : memref<327936xi32, #tpu.memory_space<hbm>> -> memref<128xi32, #tpu.memory_space<hbm>>
      %dma_wait3A_73 = tpu.memref_slice %arg3[%add3A_16] : memref<327936xi32, #tpu.memory_space<hbm>> -> memref<128xi32, #tpu.memory_space<hbm>>
      tpu.wait_dma2 semaphore(%run_scoped3A : memref<!tpu.dma_semaphore, #tpu.memory_space<semaphore_mem>>) src(%dma_wait3A_73 : memref<128xi32, #tpu.memory_space<hbm>>) dst(%arg7 : memref<128xi32, #tpu.memory_space<vmem>>)
      tpu.yield
    }) : () -> ()
    %add3A_17 = arith.constant 0 : i32
    %add3A_18 = arith.addi %add3A, %add3A_17 : i32
    "tpu.region"() ({
      %run_scoped3A = tpu.sem_alloc : memref<!tpu.dma_semaphore, #tpu.memory_space<semaphore_mem>>
      %dma_start3A_70 = tpu.memref_slice %arg4[%add3A_18] : memref<327936xi32, #tpu.memory_space<hbm>> -> memref<128xi32, #tpu.memory_space<hbm>>
      %dma_start3A_71 = tpu.memref_slice %arg4[%add3A_18] : memref<327936xi32, #tpu.memory_space<hbm>> -> memref<128xi32, #tpu.memory_space<hbm>>
      tpu.enqueue_dma source(%dma_start3A_71 : memref<128xi32, #tpu.memory_space<hbm>>) target(%arg9 : memref<128xi32, #tpu.memory_space<vmem>>) target_semaphore(%run_scoped3A : memref<!tpu.dma_semaphore, #tpu.memory_space<semaphore_mem>>)
      %dma_wait3A_72 = tpu.memref_slice %arg4[%add3A_18] : memref<327936xi32, #tpu.memory_space<hbm>> -> memref<128xi32, #tpu.memory_space<hbm>>
      %dma_wait3A_73 = tpu.memref_slice %arg4[%add3A_18] : memref<327936xi32, #tpu.memory_space<hbm>> -> memref<128xi32, #tpu.memory_space<hbm>>
      tpu.wait_dma2 semaphore(%run_scoped3A : memref<!tpu.dma_semaphore, #tpu.memory_space<semaphore_mem>>) src(%dma_wait3A_73 : memref<128xi32, #tpu.memory_space<hbm>>) dst(%arg9 : memref<128xi32, #tpu.memory_space<vmem>>)
      tpu.yield
    }) : () -> ()
    %dma_start3A = arith.constant 0 : i32
    %dma_start3A_19 = arith.constant 0 : i32
    %dma_start3A_20 = tpu.memref_slice %arg2[%dma_start3A, %dma_start3A_19] : memref<20480x128xf32, #tpu.memory_space<hbm>> -> memref<20480x128xf32, #tpu.memory_space<hbm>>
    tpu.enqueue_indirect_dma source(%dma_start3A_20 : memref<20480x128xf32, #tpu.memory_space<hbm>>) target(%arg11 : memref<128x128xf32, #tpu.memory_space<vmem>>) offsets(%arg7 : memref<128xi32, #tpu.memory_space<vmem>>) semaphore(%arg14 : memref<!tpu.dma_semaphore, #tpu.memory_space<semaphore_mem>>)
    %add3A_21 = arith.constant 128 : i32
    %add3A_22 = arith.addi %add3A, %add3A_21 : i32
    "tpu.region"() ({
      %run_scoped3A = tpu.sem_alloc : memref<!tpu.dma_semaphore, #tpu.memory_space<semaphore_mem>>
      %dma_start3A_70 = tpu.memref_slice %arg3[%add3A_22] : memref<327936xi32, #tpu.memory_space<hbm>> -> memref<128xi32, #tpu.memory_space<hbm>>
      %dma_start3A_71 = tpu.memref_slice %arg3[%add3A_22] : memref<327936xi32, #tpu.memory_space<hbm>> -> memref<128xi32, #tpu.memory_space<hbm>>
      tpu.enqueue_dma source(%dma_start3A_71 : memref<128xi32, #tpu.memory_space<hbm>>) target(%arg8 : memref<128xi32, #tpu.memory_space<vmem>>) target_semaphore(%run_scoped3A : memref<!tpu.dma_semaphore, #tpu.memory_space<semaphore_mem>>)
      %dma_wait3A_72 = tpu.memref_slice %arg3[%add3A_22] : memref<327936xi32, #tpu.memory_space<hbm>> -> memref<128xi32, #tpu.memory_space<hbm>>
      %dma_wait3A_73 = tpu.memref_slice %arg3[%add3A_22] : memref<327936xi32, #tpu.memory_space<hbm>> -> memref<128xi32, #tpu.memory_space<hbm>>
      tpu.wait_dma2 semaphore(%run_scoped3A : memref<!tpu.dma_semaphore, #tpu.memory_space<semaphore_mem>>) src(%dma_wait3A_73 : memref<128xi32, #tpu.memory_space<hbm>>) dst(%arg8 : memref<128xi32, #tpu.memory_space<vmem>>)
      tpu.yield
    }) : () -> ()
    %add3A_23 = arith.constant 128 : i32
    %add3A_24 = arith.addi %add3A, %add3A_23 : i32
    "tpu.region"() ({
      %run_scoped3A = tpu.sem_alloc : memref<!tpu.dma_semaphore, #tpu.memory_space<semaphore_mem>>
      %dma_start3A_70 = tpu.memref_slice %arg4[%add3A_24] : memref<327936xi32, #tpu.memory_space<hbm>> -> memref<128xi32, #tpu.memory_space<hbm>>
      %dma_start3A_71 = tpu.memref_slice %arg4[%add3A_24] : memref<327936xi32, #tpu.memory_space<hbm>> -> memref<128xi32, #tpu.memory_space<hbm>>
      tpu.enqueue_dma source(%dma_start3A_71 : memref<128xi32, #tpu.memory_space<hbm>>) target(%arg10 : memref<128xi32, #tpu.memory_space<vmem>>) target_semaphore(%run_scoped3A : memref<!tpu.dma_semaphore, #tpu.memory_space<semaphore_mem>>)
      %dma_wait3A_72 = tpu.memref_slice %arg4[%add3A_24] : memref<327936xi32, #tpu.memory_space<hbm>> -> memref<128xi32, #tpu.memory_space<hbm>>
      %dma_wait3A_73 = tpu.memref_slice %arg4[%add3A_24] : memref<327936xi32, #tpu.memory_space<hbm>> -> memref<128xi32, #tpu.memory_space<hbm>>
      tpu.wait_dma2 semaphore(%run_scoped3A : memref<!tpu.dma_semaphore, #tpu.memory_space<semaphore_mem>>) src(%dma_wait3A_73 : memref<128xi32, #tpu.memory_space<hbm>>) dst(%arg10 : memref<128xi32, #tpu.memory_space<vmem>>)
      tpu.yield
    }) : () -> ()
    %dma_start3A_25 = arith.constant 0 : i32
    %dma_start3A_26 = arith.constant 0 : i32
    %dma_start3A_27 = tpu.memref_slice %arg2[%dma_start3A_25, %dma_start3A_26] : memref<20480x128xf32, #tpu.memory_space<hbm>> -> memref<20480x128xf32, #tpu.memory_space<hbm>>
    tpu.enqueue_indirect_dma source(%dma_start3A_27 : memref<20480x128xf32, #tpu.memory_space<hbm>>) target(%arg12 : memref<128x128xf32, #tpu.memory_space<vmem>>) offsets(%arg8 : memref<128xi32, #tpu.memory_space<vmem>>) semaphore(%arg15 : memref<!tpu.dma_semaphore, #tpu.memory_space<semaphore_mem>>)
    %jit3A_28 = arith.constant 2 : i32
    %div3A = arith.divsi %select_n3A, %jit3A_28 : i32
    %sign3A = arith.constant 0 : i32
    %sign3A_29 = arith.cmpi sgt, %select_n3A, %sign3A : i32
    %sign3A_30 = arith.extui %sign3A_29 : i1 to i32
    %sign3A_31 = arith.constant 0 : i32
    %sign3A_32 = arith.cmpi slt, %select_n3A, %sign3A_31 : i32
    %sign3A_33 = arith.extui %sign3A_32 : i1 to i32
    %sign3A_34 = arith.subi %sign3A_30, %sign3A_33 : i32
    %sign3A_35 = arith.constant 0 : i32
    %sign3A_36 = arith.cmpi sgt, %jit3A_28, %sign3A_35 : i32
    %sign3A_37 = arith.extui %sign3A_36 : i1 to i32
    %sign3A_38 = arith.constant 0 : i32
    %sign3A_39 = arith.cmpi slt, %jit3A_28, %sign3A_38 : i32
    %sign3A_40 = arith.extui %sign3A_39 : i1 to i32
    %sign3A_41 = arith.subi %sign3A_37, %sign3A_40 : i32
    %ne3A = arith.cmpi ne, %sign3A_34, %sign3A_41 : i32
    %rem3A = arith.remsi %select_n3A, %jit3A_28 : i32
    %ne3A_42 = arith.constant 0 : i32
    %ne3A_43 = arith.cmpi ne, %rem3A, %ne3A_42 : i32
    %and3A = arith.andi %ne3A, %ne3A_43 : i1
    %sub3A = arith.constant 1 : i32
    %sub3A_44 = arith.subi %div3A, %sub3A : i32
    %select_n3A_45 = arith.select %and3A, %sub3A_44, %div3A : i32
    %while3A = arith.constant 0 : i32
    %while3A_46 = arith.constant 0 : i32
    %while3A_47 = arith.subi %select_n3A_45, %while3A : i32
    %while3A_48 = arith.addi %while3A, %while3A_47 : i32
    %while3A_49 = arith.constant 1 : i32
    %while3A_50 = arith.divsi %while3A_47, %while3A_49 : i32
    %while3A_51 = arith.muli %while3A_50, %while3A_49 : i32
    %while3A_52 = arith.addi %while3A, %while3A_51 : i32
    %while3A_53 = arith.constant 1 : i32
    %while3A_54 = scf.for %while3A_70 = %while3A to %while3A_52 step %while3A_53 iter_args(%while3A_71 = %while3A_46) -> (i32)  : i32 {
      %mul3A_72 = arith.constant 2 : i32
      %mul3A_73 = arith.muli %mul3A_72, %while3A_70 : i32
      %mul3A_74 = arith.constant 128 : i32
      %mul3A_75 = arith.muli %mul3A_73, %mul3A_74 : i32
      %add3A_76 = arith.addi %add3A, %mul3A_75 : i32
      %dma_wait3A_77 = arith.constant 0 : i32
      %dma_wait3A_78 = arith.constant 0 : i32
      %dma_wait3A_79 = tpu.memref_slice %arg2[%dma_wait3A_77, %dma_wait3A_78] : memref<20480x128xf32, #tpu.memory_space<hbm>> -> memref<20480x128xf32, #tpu.memory_space<hbm>>
      tpu.wait_indirect_dma semaphore(%arg14 : memref<!tpu.dma_semaphore, #tpu.memory_space<semaphore_mem>>) src(%dma_wait3A_79 : memref<20480x128xf32, #tpu.memory_space<hbm>>) dst(%arg11 : memref<128x128xf32, #tpu.memory_space<vmem>>)
      "tpu.region"() ({
        %run_scoped3A = tpu.sem_alloc : memref<!tpu.dma_semaphore, #tpu.memory_space<semaphore_mem>>
        %dma_start3A_94 = arith.constant 0 : i32
        %dma_start3A_95 = arith.constant 0 : i32
        %dma_start3A_96 = tpu.memref_slice %arg13[%dma_start3A_94, %dma_start3A_95] : memref<10240x128xf32, #tpu.memory_space<vmem_shared>> -> memref<10240x128xf32, #tpu.memory_space<vmem_shared>>
        tpu.enqueue_indirect_dma source(%arg11 : memref<128x128xf32, #tpu.memory_space<vmem>>) target(%dma_start3A_96 : memref<10240x128xf32, #tpu.memory_space<vmem_shared>>) offsets(%arg9 : memref<128xi32, #tpu.memory_space<vmem>>) semaphore(%run_scoped3A : memref<!tpu.dma_semaphore, #tpu.memory_space<semaphore_mem>>) {add = true}
        %dma_wait3A_97 = arith.constant 0 : i32
        %dma_wait3A_98 = arith.constant 0 : i32
        %dma_wait3A_99 = tpu.memref_slice %arg13[%dma_wait3A_97, %dma_wait3A_98] : memref<10240x128xf32, #tpu.memory_space<vmem_shared>> -> memref<10240x128xf32, #tpu.memory_space<vmem_shared>>
        tpu.wait_indirect_dma semaphore(%run_scoped3A : memref<!tpu.dma_semaphore, #tpu.memory_space<semaphore_mem>>) src(%arg11 : memref<128x128xf32, #tpu.memory_space<vmem>>) dst(%dma_wait3A_99 : memref<10240x128xf32, #tpu.memory_space<vmem_shared>>)
        tpu.yield
      }) : () -> ()
      %add3A_80 = arith.constant 256 : i32
      %add3A_81 = arith.addi %add3A_76, %add3A_80 : i32
      "tpu.region"() ({
        %run_scoped3A = tpu.sem_alloc : memref<!tpu.dma_semaphore, #tpu.memory_space<semaphore_mem>>
        %dma_start3A_94 = tpu.memref_slice %arg3[%add3A_81] : memref<327936xi32, #tpu.memory_space<hbm>> -> memref<128xi32, #tpu.memory_space<hbm>>
        %dma_start3A_95 = tpu.memref_slice %arg3[%add3A_81] : memref<327936xi32, #tpu.memory_space<hbm>> -> memref<128xi32, #tpu.memory_space<hbm>>
        tpu.enqueue_dma source(%dma_start3A_95 : memref<128xi32, #tpu.memory_space<hbm>>) target(%arg7 : memref<128xi32, #tpu.memory_space<vmem>>) target_semaphore(%run_scoped3A : memref<!tpu.dma_semaphore, #tpu.memory_space<semaphore_mem>>)
        %dma_wait3A_96 = tpu.memref_slice %arg3[%add3A_81] : memref<327936xi32, #tpu.memory_space<hbm>> -> memref<128xi32, #tpu.memory_space<hbm>>
        %dma_wait3A_97 = tpu.memref_slice %arg3[%add3A_81] : memref<327936xi32, #tpu.memory_space<hbm>> -> memref<128xi32, #tpu.memory_space<hbm>>
        tpu.wait_dma2 semaphore(%run_scoped3A : memref<!tpu.dma_semaphore, #tpu.memory_space<semaphore_mem>>) src(%dma_wait3A_97 : memref<128xi32, #tpu.memory_space<hbm>>) dst(%arg7 : memref<128xi32, #tpu.memory_space<vmem>>)
        tpu.yield
      }) : () -> ()
      "tpu.region"() ({
        %run_scoped3A = tpu.sem_alloc : memref<!tpu.dma_semaphore, #tpu.memory_space<semaphore_mem>>
        %dma_start3A_94 = tpu.memref_slice %arg4[%add3A_81] : memref<327936xi32, #tpu.memory_space<hbm>> -> memref<128xi32, #tpu.memory_space<hbm>>
        %dma_start3A_95 = tpu.memref_slice %arg4[%add3A_81] : memref<327936xi32, #tpu.memory_space<hbm>> -> memref<128xi32, #tpu.memory_space<hbm>>
        tpu.enqueue_dma source(%dma_start3A_95 : memref<128xi32, #tpu.memory_space<hbm>>) target(%arg9 : memref<128xi32, #tpu.memory_space<vmem>>) target_semaphore(%run_scoped3A : memref<!tpu.dma_semaphore, #tpu.memory_space<semaphore_mem>>)
        %dma_wait3A_96 = tpu.memref_slice %arg4[%add3A_81] : memref<327936xi32, #tpu.memory_space<hbm>> -> memref<128xi32, #tpu.memory_space<hbm>>
        %dma_wait3A_97 = tpu.memref_slice %arg4[%add3A_81] : memref<327936xi32, #tpu.memory_space<hbm>> -> memref<128xi32, #tpu.memory_space<hbm>>
        tpu.wait_dma2 semaphore(%run_scoped3A : memref<!tpu.dma_semaphore, #tpu.memory_space<semaphore_mem>>) src(%dma_wait3A_97 : memref<128xi32, #tpu.memory_space<hbm>>) dst(%arg9 : memref<128xi32, #tpu.memory_space<vmem>>)
        tpu.yield
      }) : () -> ()
      %dma_start3A_82 = arith.constant 0 : i32
      %dma_start3A_83 = arith.constant 0 : i32
      %dma_start3A_84 = tpu.memref_slice %arg2[%dma_start3A_82, %dma_start3A_83] : memref<20480x128xf32, #tpu.memory_space<hbm>> -> memref<20480x128xf32, #tpu.memory_space<hbm>>
      tpu.enqueue_indirect_dma source(%dma_start3A_84 : memref<20480x128xf32, #tpu.memory_space<hbm>>) target(%arg11 : memref<128x128xf32, #tpu.memory_space<vmem>>) offsets(%arg7 : memref<128xi32, #tpu.memory_space<vmem>>) semaphore(%arg14 : memref<!tpu.dma_semaphore, #tpu.memory_space<semaphore_mem>>)
      %dma_wait3A_85 = arith.constant 0 : i32
      %dma_wait3A_86 = arith.constant 0 : i32
      %dma_wait3A_87 = tpu.memref_slice %arg2[%dma_wait3A_85, %dma_wait3A_86] : memref<20480x128xf32, #tpu.memory_space<hbm>> -> memref<20480x128xf32, #tpu.memory_space<hbm>>
      tpu.wait_indirect_dma semaphore(%arg15 : memref<!tpu.dma_semaphore, #tpu.memory_space<semaphore_mem>>) src(%dma_wait3A_87 : memref<20480x128xf32, #tpu.memory_space<hbm>>) dst(%arg12 : memref<128x128xf32, #tpu.memory_space<vmem>>)
      "tpu.region"() ({
        %run_scoped3A = tpu.sem_alloc : memref<!tpu.dma_semaphore, #tpu.memory_space<semaphore_mem>>
        %dma_start3A_94 = arith.constant 0 : i32
        %dma_start3A_95 = arith.constant 0 : i32
        %dma_start3A_96 = tpu.memref_slice %arg13[%dma_start3A_94, %dma_start3A_95] : memref<10240x128xf32, #tpu.memory_space<vmem_shared>> -> memref<10240x128xf32, #tpu.memory_space<vmem_shared>>
        tpu.enqueue_indirect_dma source(%arg12 : memref<128x128xf32, #tpu.memory_space<vmem>>) target(%dma_start3A_96 : memref<10240x128xf32, #tpu.memory_space<vmem_shared>>) offsets(%arg10 : memref<128xi32, #tpu.memory_space<vmem>>) semaphore(%run_scoped3A : memref<!tpu.dma_semaphore, #tpu.memory_space<semaphore_mem>>) {add = true}
        %dma_wait3A_97 = arith.constant 0 : i32
        %dma_wait3A_98 = arith.constant 0 : i32
        %dma_wait3A_99 = tpu.memref_slice %arg13[%dma_wait3A_97, %dma_wait3A_98] : memref<10240x128xf32, #tpu.memory_space<vmem_shared>> -> memref<10240x128xf32, #tpu.memory_space<vmem_shared>>
        tpu.wait_indirect_dma semaphore(%run_scoped3A : memref<!tpu.dma_semaphore, #tpu.memory_space<semaphore_mem>>) src(%arg12 : memref<128x128xf32, #tpu.memory_space<vmem>>) dst(%dma_wait3A_99 : memref<10240x128xf32, #tpu.memory_space<vmem_shared>>)
        tpu.yield
      }) : () -> ()
      %add3A_88 = arith.constant 384 : i32
      %add3A_89 = arith.addi %add3A_76, %add3A_88 : i32
      "tpu.region"() ({
        %run_scoped3A = tpu.sem_alloc : memref<!tpu.dma_semaphore, #tpu.memory_space<semaphore_mem>>
        %dma_start3A_94 = tpu.memref_slice %arg3[%add3A_89] : memref<327936xi32, #tpu.memory_space<hbm>> -> memref<128xi32, #tpu.memory_space<hbm>>
        %dma_start3A_95 = tpu.memref_slice %arg3[%add3A_89] : memref<327936xi32, #tpu.memory_space<hbm>> -> memref<128xi32, #tpu.memory_space<hbm>>
        tpu.enqueue_dma source(%dma_start3A_95 : memref<128xi32, #tpu.memory_space<hbm>>) target(%arg8 : memref<128xi32, #tpu.memory_space<vmem>>) target_semaphore(%run_scoped3A : memref<!tpu.dma_semaphore, #tpu.memory_space<semaphore_mem>>)
        %dma_wait3A_96 = tpu.memref_slice %arg3[%add3A_89] : memref<327936xi32, #tpu.memory_space<hbm>> -> memref<128xi32, #tpu.memory_space<hbm>>
        %dma_wait3A_97 = tpu.memref_slice %arg3[%add3A_89] : memref<327936xi32, #tpu.memory_space<hbm>> -> memref<128xi32, #tpu.memory_space<hbm>>
        tpu.wait_dma2 semaphore(%run_scoped3A : memref<!tpu.dma_semaphore, #tpu.memory_space<semaphore_mem>>) src(%dma_wait3A_97 : memref<128xi32, #tpu.memory_space<hbm>>) dst(%arg8 : memref<128xi32, #tpu.memory_space<vmem>>)
        tpu.yield
      }) : () -> ()
      "tpu.region"() ({
        %run_scoped3A = tpu.sem_alloc : memref<!tpu.dma_semaphore, #tpu.memory_space<semaphore_mem>>
        %dma_start3A_94 = tpu.memref_slice %arg4[%add3A_89] : memref<327936xi32, #tpu.memory_space<hbm>> -> memref<128xi32, #tpu.memory_space<hbm>>
        %dma_start3A_95 = tpu.memref_slice %arg4[%add3A_89] : memref<327936xi32, #tpu.memory_space<hbm>> -> memref<128xi32, #tpu.memory_space<hbm>>
        tpu.enqueue_dma source(%dma_start3A_95 : memref<128xi32, #tpu.memory_space<hbm>>) target(%arg10 : memref<128xi32, #tpu.memory_space<vmem>>) target_semaphore(%run_scoped3A : memref<!tpu.dma_semaphore, #tpu.memory_space<semaphore_mem>>)
        %dma_wait3A_96 = tpu.memref_slice %arg4[%add3A_89] : memref<327936xi32, #tpu.memory_space<hbm>> -> memref<128xi32, #tpu.memory_space<hbm>>
        %dma_wait3A_97 = tpu.memref_slice %arg4[%add3A_89] : memref<327936xi32, #tpu.memory_space<hbm>> -> memref<128xi32, #tpu.memory_space<hbm>>
        tpu.wait_dma2 semaphore(%run_scoped3A : memref<!tpu.dma_semaphore, #tpu.memory_space<semaphore_mem>>) src(%dma_wait3A_97 : memref<128xi32, #tpu.memory_space<hbm>>) dst(%arg10 : memref<128xi32, #tpu.memory_space<vmem>>)
        tpu.yield
      }) : () -> ()
      %dma_start3A_90 = arith.constant 0 : i32
      %dma_start3A_91 = arith.constant 0 : i32
      %dma_start3A_92 = tpu.memref_slice %arg2[%dma_start3A_90, %dma_start3A_91] : memref<20480x128xf32, #tpu.memory_space<hbm>> -> memref<20480x128xf32, #tpu.memory_space<hbm>>
      tpu.enqueue_indirect_dma source(%dma_start3A_92 : memref<20480x128xf32, #tpu.memory_space<hbm>>) target(%arg12 : memref<128x128xf32, #tpu.memory_space<vmem>>) offsets(%arg8 : memref<128xi32, #tpu.memory_space<vmem>>) semaphore(%arg15 : memref<!tpu.dma_semaphore, #tpu.memory_space<semaphore_mem>>)
      %while3A_93 = arith.constant 0 : i32
      scf.yield %while3A_93 : i32
    }
    %while3A_55 = arith.constant 1 : i32
    %while3A_56 = scf.for %while3A_70 = %while3A_52 to %while3A_48 step %while3A_55 iter_args(%while3A_71 = %while3A_54) -> (i32)  : i32 {
      %mul3A_72 = arith.constant 2 : i32
      %mul3A_73 = arith.muli %mul3A_72, %while3A_70 : i32
      %mul3A_74 = arith.constant 128 : i32
      %mul3A_75 = arith.muli %mul3A_73, %mul3A_74 : i32
      %add3A_76 = arith.addi %add3A, %mul3A_75 : i32
      %dma_wait3A_77 = arith.constant 0 : i32
      %dma_wait3A_78 = arith.constant 0 : i32
      %dma_wait3A_79 = tpu.memref_slice %arg2[%dma_wait3A_77, %dma_wait3A_78] : memref<20480x128xf32, #tpu.memory_space<hbm>> -> memref<20480x128xf32, #tpu.memory_space<hbm>>
      tpu.wait_indirect_dma semaphore(%arg14 : memref<!tpu.dma_semaphore, #tpu.memory_space<semaphore_mem>>) src(%dma_wait3A_79 : memref<20480x128xf32, #tpu.memory_space<hbm>>) dst(%arg11 : memref<128x128xf32, #tpu.memory_space<vmem>>)
      "tpu.region"() ({
        %run_scoped3A = tpu.sem_alloc : memref<!tpu.dma_semaphore, #tpu.memory_space<semaphore_mem>>
        %dma_start3A_94 = arith.constant 0 : i32
        %dma_start3A_95 = arith.constant 0 : i32
        %dma_start3A_96 = tpu.memref_slice %arg13[%dma_start3A_94, %dma_start3A_95] : memref<10240x128xf32, #tpu.memory_space<vmem_shared>> -> memref<10240x128xf32, #tpu.memory_space<vmem_shared>>
        tpu.enqueue_indirect_dma source(%arg11 : memref<128x128xf32, #tpu.memory_space<vmem>>) target(%dma_start3A_96 : memref<10240x128xf32, #tpu.memory_space<vmem_shared>>) offsets(%arg9 : memref<128xi32, #tpu.memory_space<vmem>>) semaphore(%run_scoped3A : memref<!tpu.dma_semaphore, #tpu.memory_space<semaphore_mem>>) {add = true}
        %dma_wait3A_97 = arith.constant 0 : i32
        %dma_wait3A_98 = arith.constant 0 : i32
        %dma_wait3A_99 = tpu.memref_slice %arg13[%dma_wait3A_97, %dma_wait3A_98] : memref<10240x128xf32, #tpu.memory_space<vmem_shared>> -> memref<10240x128xf32, #tpu.memory_space<vmem_shared>>
        tpu.wait_indirect_dma semaphore(%run_scoped3A : memref<!tpu.dma_semaphore, #tpu.memory_space<semaphore_mem>>) src(%arg11 : memref<128x128xf32, #tpu.memory_space<vmem>>) dst(%dma_wait3A_99 : memref<10240x128xf32, #tpu.memory_space<vmem_shared>>)
        tpu.yield
      }) : () -> ()
      %add3A_80 = arith.constant 256 : i32
      %add3A_81 = arith.addi %add3A_76, %add3A_80 : i32
      "tpu.region"() ({
        %run_scoped3A = tpu.sem_alloc : memref<!tpu.dma_semaphore, #tpu.memory_space<semaphore_mem>>
        %dma_start3A_94 = tpu.memref_slice %arg3[%add3A_81] : memref<327936xi32, #tpu.memory_space<hbm>> -> memref<128xi32, #tpu.memory_space<hbm>>
        %dma_start3A_95 = tpu.memref_slice %arg3[%add3A_81] : memref<327936xi32, #tpu.memory_space<hbm>> -> memref<128xi32, #tpu.memory_space<hbm>>
        tpu.enqueue_dma source(%dma_start3A_95 : memref<128xi32, #tpu.memory_space<hbm>>) target(%arg7 : memref<128xi32, #tpu.memory_space<vmem>>) target_semaphore(%run_scoped3A : memref<!tpu.dma_semaphore, #tpu.memory_space<semaphore_mem>>)
        %dma_wait3A_96 = tpu.memref_slice %arg3[%add3A_81] : memref<327936xi32, #tpu.memory_space<hbm>> -> memref<128xi32, #tpu.memory_space<hbm>>
        %dma_wait3A_97 = tpu.memref_slice %arg3[%add3A_81] : memref<327936xi32, #tpu.memory_space<hbm>> -> memref<128xi32, #tpu.memory_space<hbm>>
        tpu.wait_dma2 semaphore(%run_scoped3A : memref<!tpu.dma_semaphore, #tpu.memory_space<semaphore_mem>>) src(%dma_wait3A_97 : memref<128xi32, #tpu.memory_space<hbm>>) dst(%arg7 : memref<128xi32, #tpu.memory_space<vmem>>)
        tpu.yield
      }) : () -> ()
      "tpu.region"() ({
        %run_scoped3A = tpu.sem_alloc : memref<!tpu.dma_semaphore, #tpu.memory_space<semaphore_mem>>
        %dma_start3A_94 = tpu.memref_slice %arg4[%add3A_81] : memref<327936xi32, #tpu.memory_space<hbm>> -> memref<128xi32, #tpu.memory_space<hbm>>
        %dma_start3A_95 = tpu.memref_slice %arg4[%add3A_81] : memref<327936xi32, #tpu.memory_space<hbm>> -> memref<128xi32, #tpu.memory_space<hbm>>
        tpu.enqueue_dma source(%dma_start3A_95 : memref<128xi32, #tpu.memory_space<hbm>>) target(%arg9 : memref<128xi32, #tpu.memory_space<vmem>>) target_semaphore(%run_scoped3A : memref<!tpu.dma_semaphore, #tpu.memory_space<semaphore_mem>>)
        %dma_wait3A_96 = tpu.memref_slice %arg4[%add3A_81] : memref<327936xi32, #tpu.memory_space<hbm>> -> memref<128xi32, #tpu.memory_space<hbm>>
        %dma_wait3A_97 = tpu.memref_slice %arg4[%add3A_81] : memref<327936xi32, #tpu.memory_space<hbm>> -> memref<128xi32, #tpu.memory_space<hbm>>
        tpu.wait_dma2 semaphore(%run_scoped3A : memref<!tpu.dma_semaphore, #tpu.memory_space<semaphore_mem>>) src(%dma_wait3A_97 : memref<128xi32, #tpu.memory_space<hbm>>) dst(%arg9 : memref<128xi32, #tpu.memory_space<vmem>>)
        tpu.yield
      }) : () -> ()
      %dma_start3A_82 = arith.constant 0 : i32
      %dma_start3A_83 = arith.constant 0 : i32
      %dma_start3A_84 = tpu.memref_slice %arg2[%dma_start3A_82, %dma_start3A_83] : memref<20480x128xf32, #tpu.memory_space<hbm>> -> memref<20480x128xf32, #tpu.memory_space<hbm>>
      tpu.enqueue_indirect_dma source(%dma_start3A_84 : memref<20480x128xf32, #tpu.memory_space<hbm>>) target(%arg11 : memref<128x128xf32, #tpu.memory_space<vmem>>) offsets(%arg7 : memref<128xi32, #tpu.memory_space<vmem>>) semaphore(%arg14 : memref<!tpu.dma_semaphore, #tpu.memory_space<semaphore_mem>>)
      %dma_wait3A_85 = arith.constant 0 : i32
      %dma_wait3A_86 = arith.constant 0 : i32
      %dma_wait3A_87 = tpu.memref_slice %arg2[%dma_wait3A_85, %dma_wait3A_86] : memref<20480x128xf32, #tpu.memory_space<hbm>> -> memref<20480x128xf32, #tpu.memory_space<hbm>>
      tpu.wait_indirect_dma semaphore(%arg15 : memref<!tpu.dma_semaphore, #tpu.memory_space<semaphore_mem>>) src(%dma_wait3A_87 : memref<20480x128xf32, #tpu.memory_space<hbm>>) dst(%arg12 : memref<128x128xf32, #tpu.memory_space<vmem>>)
      "tpu.region"() ({
        %run_scoped3A = tpu.sem_alloc : memref<!tpu.dma_semaphore, #tpu.memory_space<semaphore_mem>>
        %dma_start3A_94 = arith.constant 0 : i32
        %dma_start3A_95 = arith.constant 0 : i32
        %dma_start3A_96 = tpu.memref_slice %arg13[%dma_start3A_94, %dma_start3A_95] : memref<10240x128xf32, #tpu.memory_space<vmem_shared>> -> memref<10240x128xf32, #tpu.memory_space<vmem_shared>>
        tpu.enqueue_indirect_dma source(%arg12 : memref<128x128xf32, #tpu.memory_space<vmem>>) target(%dma_start3A_96 : memref<10240x128xf32, #tpu.memory_space<vmem_shared>>) offsets(%arg10 : memref<128xi32, #tpu.memory_space<vmem>>) semaphore(%run_scoped3A : memref<!tpu.dma_semaphore, #tpu.memory_space<semaphore_mem>>) {add = true}
        %dma_wait3A_97 = arith.constant 0 : i32
        %dma_wait3A_98 = arith.constant 0 : i32
        %dma_wait3A_99 = tpu.memref_slice %arg13[%dma_wait3A_97, %dma_wait3A_98] : memref<10240x128xf32, #tpu.memory_space<vmem_shared>> -> memref<10240x128xf32, #tpu.memory_space<vmem_shared>>
        tpu.wait_indirect_dma semaphore(%run_scoped3A : memref<!tpu.dma_semaphore, #tpu.memory_space<semaphore_mem>>) src(%arg12 : memref<128x128xf32, #tpu.memory_space<vmem>>) dst(%dma_wait3A_99 : memref<10240x128xf32, #tpu.memory_space<vmem_shared>>)
        tpu.yield
      }) : () -> ()
      %add3A_88 = arith.constant 384 : i32
      %add3A_89 = arith.addi %add3A_76, %add3A_88 : i32
      "tpu.region"() ({
        %run_scoped3A = tpu.sem_alloc : memref<!tpu.dma_semaphore, #tpu.memory_space<semaphore_mem>>
        %dma_start3A_94 = tpu.memref_slice %arg3[%add3A_89] : memref<327936xi32, #tpu.memory_space<hbm>> -> memref<128xi32, #tpu.memory_space<hbm>>
        %dma_start3A_95 = tpu.memref_slice %arg3[%add3A_89] : memref<327936xi32, #tpu.memory_space<hbm>> -> memref<128xi32, #tpu.memory_space<hbm>>
        tpu.enqueue_dma source(%dma_start3A_95 : memref<128xi32, #tpu.memory_space<hbm>>) target(%arg8 : memref<128xi32, #tpu.memory_space<vmem>>) target_semaphore(%run_scoped3A : memref<!tpu.dma_semaphore, #tpu.memory_space<semaphore_mem>>)
        %dma_wait3A_96 = tpu.memref_slice %arg3[%add3A_89] : memref<327936xi32, #tpu.memory_space<hbm>> -> memref<128xi32, #tpu.memory_space<hbm>>
        %dma_wait3A_97 = tpu.memref_slice %arg3[%add3A_89] : memref<327936xi32, #tpu.memory_space<hbm>> -> memref<128xi32, #tpu.memory_space<hbm>>
        tpu.wait_dma2 semaphore(%run_scoped3A : memref<!tpu.dma_semaphore, #tpu.memory_space<semaphore_mem>>) src(%dma_wait3A_97 : memref<128xi32, #tpu.memory_space<hbm>>) dst(%arg8 : memref<128xi32, #tpu.memory_space<vmem>>)
        tpu.yield
      }) : () -> ()
      "tpu.region"() ({
        %run_scoped3A = tpu.sem_alloc : memref<!tpu.dma_semaphore, #tpu.memory_space<semaphore_mem>>
        %dma_start3A_94 = tpu.memref_slice %arg4[%add3A_89] : memref<327936xi32, #tpu.memory_space<hbm>> -> memref<128xi32, #tpu.memory_space<hbm>>
        %dma_start3A_95 = tpu.memref_slice %arg4[%add3A_89] : memref<327936xi32, #tpu.memory_space<hbm>> -> memref<128xi32, #tpu.memory_space<hbm>>
        tpu.enqueue_dma source(%dma_start3A_95 : memref<128xi32, #tpu.memory_space<hbm>>) target(%arg10 : memref<128xi32, #tpu.memory_space<vmem>>) target_semaphore(%run_scoped3A : memref<!tpu.dma_semaphore, #tpu.memory_space<semaphore_mem>>)
        %dma_wait3A_96 = tpu.memref_slice %arg4[%add3A_89] : memref<327936xi32, #tpu.memory_space<hbm>> -> memref<128xi32, #tpu.memory_space<hbm>>
        %dma_wait3A_97 = tpu.memref_slice %arg4[%add3A_89] : memref<327936xi32, #tpu.memory_space<hbm>> -> memref<128xi32, #tpu.memory_space<hbm>>
        tpu.wait_dma2 semaphore(%run_scoped3A : memref<!tpu.dma_semaphore, #tpu.memory_space<semaphore_mem>>) src(%dma_wait3A_97 : memref<128xi32, #tpu.memory_space<hbm>>) dst(%arg10 : memref<128xi32, #tpu.memory_space<vmem>>)
        tpu.yield
      }) : () -> ()
      %dma_start3A_90 = arith.constant 0 : i32
      %dma_start3A_91 = arith.constant 0 : i32
      %dma_start3A_92 = tpu.memref_slice %arg2[%dma_start3A_90, %dma_start3A_91] : memref<20480x128xf32, #tpu.memory_space<hbm>> -> memref<20480x128xf32, #tpu.memory_space<hbm>>
      tpu.enqueue_indirect_dma source(%dma_start3A_92 : memref<20480x128xf32, #tpu.memory_space<hbm>>) target(%arg12 : memref<128x128xf32, #tpu.memory_space<vmem>>) offsets(%arg8 : memref<128xi32, #tpu.memory_space<vmem>>) semaphore(%arg15 : memref<!tpu.dma_semaphore, #tpu.memory_space<semaphore_mem>>)
      %while3A_93 = arith.constant 0 : i32
      scf.yield %while3A_93 : i32
    }
    %dma_wait3A = arith.constant 0 : i32
    %dma_wait3A_57 = arith.constant 0 : i32
    %dma_wait3A_58 = tpu.memref_slice %arg2[%dma_wait3A, %dma_wait3A_57] : memref<20480x128xf32, #tpu.memory_space<hbm>> -> memref<20480x128xf32, #tpu.memory_space<hbm>>
    tpu.wait_indirect_dma semaphore(%arg14 : memref<!tpu.dma_semaphore, #tpu.memory_space<semaphore_mem>>) src(%dma_wait3A_58 : memref<20480x128xf32, #tpu.memory_space<hbm>>) dst(%arg11 : memref<128x128xf32, #tpu.memory_space<vmem>>)
    %dma_wait3A_59 = arith.constant 0 : i32
    %dma_wait3A_60 = arith.constant 0 : i32
    %dma_wait3A_61 = tpu.memref_slice %arg2[%dma_wait3A_59, %dma_wait3A_60] : memref<20480x128xf32, #tpu.memory_space<hbm>> -> memref<20480x128xf32, #tpu.memory_space<hbm>>
    tpu.wait_indirect_dma semaphore(%arg15 : memref<!tpu.dma_semaphore, #tpu.memory_space<semaphore_mem>>) src(%dma_wait3A_61 : memref<20480x128xf32, #tpu.memory_space<hbm>>) dst(%arg12 : memref<128x128xf32, #tpu.memory_space<vmem>>)
    %barrier3A_62 = arith.constant 0 : index
    tpu.barrier barrier_id(%barrier3A_62)
    %scan3A_63 = arith.constant 0 : i32
    %scan3A_64 = arith.constant 0 : i32
    %scan3A_65 = arith.constant 5 : i32
    %scan3A_66 = arith.addi %scan3A_64, %scan3A_65 : i32
    %scan3A_67 = arith.constant 1 : i32
    %scan3A_68 = scf.for %scan3A_70 = %scan3A_64 to %scan3A_66 step %scan3A_67 iter_args(%scan3A_71 = %scan3A_63) -> (i32)  : i32 {
      %mul3A_72 = arith.constant 128 : i32
      %mul3A_73 = arith.muli %scan3A_70, %mul3A_72 : i32
      %add3A_74 = arith.addi %mul3A_0, %mul3A_73 : i32
      %mul3A_75 = arith.constant 10240 : i32
      %mul3A_76 = arith.muli %arg0, %mul3A_75 : i32
      %add3A_77 = arith.addi %mul3A_76, %add3A_74 : i32
      "tpu.region"() ({
        %run_scoped3A = tpu.sem_alloc : memref<!tpu.dma_semaphore, #tpu.memory_space<semaphore_mem>>
        %dma_start3A_79 = arith.constant 0 : i32
        %dma_start3A_80 = tpu.memref_slice %arg6[%add3A_77, %dma_start3A_79] : memref<20480x128xf32, #tpu.memory_space<hbm>> -> memref<128x128xf32, #tpu.memory_space<hbm>>
        %dma_start3A_81 = arith.constant 0 : i32
        %dma_start3A_82 = tpu.memref_slice %arg13[%add3A_74, %dma_start3A_81] : memref<10240x128xf32, #tpu.memory_space<vmem_shared>> -> memref<128x128xf32, #tpu.memory_space<vmem_shared>>
        tpu.enqueue_dma source(%dma_start3A_82 : memref<128x128xf32, #tpu.memory_space<vmem_shared>>) target(%dma_start3A_80 : memref<128x128xf32, #tpu.memory_space<hbm>>) target_semaphore(%run_scoped3A : memref<!tpu.dma_semaphore, #tpu.memory_space<semaphore_mem>>)
        %dma_wait3A_83 = arith.constant 0 : i32
        %dma_wait3A_84 = tpu.memref_slice %arg6[%add3A_77, %dma_wait3A_83] : memref<20480x128xf32, #tpu.memory_space<hbm>> -> memref<128x128xf32, #tpu.memory_space<hbm>>
        %dma_wait3A_85 = arith.constant 0 : i32
        %dma_wait3A_86 = tpu.memref_slice %arg13[%add3A_74, %dma_wait3A_85] : memref<10240x128xf32, #tpu.memory_space<vmem_shared>> -> memref<128x128xf32, #tpu.memory_space<vmem_shared>>
        tpu.wait_dma2 semaphore(%run_scoped3A : memref<!tpu.dma_semaphore, #tpu.memory_space<semaphore_mem>>) src(%dma_wait3A_86 : memref<128x128xf32, #tpu.memory_space<vmem_shared>>) dst(%dma_wait3A_84 : memref<128x128xf32, #tpu.memory_space<hbm>>)
        tpu.yield
      }) : () -> ()
      %scan3A_78 = arith.constant 0 : i32
      scf.yield %scan3A_78 : i32
    }
    %scan3A_69 = arith.constant 5 : i32
    return
  }
}

#map = affine_map<(d0, d1) -> (0, 0)>
#map1 = affine_map<(d0, d1) -> (0)>
module attributes {stable_mosaic.version = 14 : i64} {
  func.func @_agg_body(%arg0: i32, %arg1: i32, %arg2: memref<20480x128xf32, #tpu.memory_space<hbm>>, %arg3: memref<327936xi32, #tpu.memory_space<hbm>>, %arg4: memref<327936xi32, #tpu.memory_space<hbm>>, %arg5: memref<128x128xf32, #tpu.memory_space<hbm>>, %arg6: memref<20480x128xf32, #tpu.memory_space<hbm>>, %arg7: memref<128xi32, #tpu.memory_space<vmem>>, %arg8: memref<128xi32, #tpu.memory_space<vmem>>, %arg9: memref<128xi32, #tpu.memory_space<vmem>>, %arg10: memref<128xi32, #tpu.memory_space<vmem>>, %arg11: memref<128x128xf32, #tpu.memory_space<vmem>>, %arg12: memref<128x128xf32, #tpu.memory_space<vmem>>, %arg13: memref<10240x128xf32, #tpu.memory_space<vmem_shared>>, %arg14: memref<!tpu.dma_semaphore, #tpu.memory_space<semaphore_mem>>, %arg15: memref<!tpu.dma_semaphore, #tpu.memory_space<semaphore_mem>>) attributes {dimension_semantics = [#tpu.dimension_semantics<core_parallel>, #tpu.dimension_semantics<subcore_parallel>], iteration_bounds = array<i64: 2, 16>, scalar_prefetch = 0 : i64, scratch_operands = 9 : i64, tpu.core_type = #tpu.core_type<sc_vector_subcore>, window_params = [{transform_indices = #map}, {transform_indices = #map1}, {transform_indices = #map1}, {transform_indices = #map}, {transform_indices = #map}]} {
    %mul3A = arith.constant 640 : i32
    %mul3A_0 = arith.muli %arg1, %mul3A : i32
    %scan3A = arith.constant 0 : i32
    %scan3A_1 = arith.constant 0 : i32
    %scan3A_2 = arith.constant 5 : i32
    %scan3A_3 = arith.addi %scan3A_1, %scan3A_2 : i32
    %scan3A_4 = arith.constant 1 : i32
    %scan3A_5 = scf.for %scan3A_70 = %scan3A_1 to %scan3A_3 step %scan3A_4 iter_args(%scan3A_71 = %scan3A) -> (i32)  : i32 {
      %mul3A_72 = arith.constant 128 : i32
      %mul3A_73 = arith.muli %scan3A_70, %mul3A_72 : i32
      %add3A_74 = arith.addi %mul3A_0, %mul3A_73 : i32
      "tpu.region"() ({
        %run_scoped3A = tpu.sem_alloc : memref<!tpu.dma_semaphore, #tpu.memory_space<semaphore_mem>>
        %dma_start3A_76 = arith.constant 0 : i32
        %dma_start3A_77 = tpu.memref_slice %arg13[%add3A_74, %dma_start3A_76] : memref<10240x128xf32, #tpu.memory_space<vmem_shared>> -> memref<128x128xf32, #tpu.memory_space<vmem_shared>>
        tpu.enqueue_dma source(%arg5 : memref<128x128xf32, #tpu.memory_space<hbm>>) target(%dma_start3A_77 : memref<128x128xf32, #tpu.memory_space<vmem_shared>>) target_semaphore(%run_scoped3A : memref<!tpu.dma_semaphore, #tpu.memory_space<semaphore_mem>>)
        %dma_wait3A_78 = arith.constant 0 : i32
        %dma_wait3A_79 = tpu.memref_slice %arg13[%add3A_74, %dma_wait3A_78] : memref<10240x128xf32, #tpu.memory_space<vmem_shared>> -> memref<128x128xf32, #tpu.memory_space<vmem_shared>>
        tpu.wait_dma2 semaphore(%run_scoped3A : memref<!tpu.dma_semaphore, #tpu.memory_space<semaphore_mem>>) src(%arg5 : memref<128x128xf32, #tpu.memory_space<hbm>>) dst(%dma_wait3A_79 : memref<128x128xf32, #tpu.memory_space<vmem_shared>>)
        tpu.yield
      }) : () -> ()
      %scan3A_75 = arith.constant 0 : i32
      scf.yield %scan3A_75 : i32
    }
    %scan3A_6 = arith.constant 5 : i32
    %barrier3A = arith.constant 0 : index
    tpu.barrier barrier_id(%barrier3A)
    %eq3A = arith.constant 0 : i32
    %eq3A_7 = arith.cmpi eq, %arg0, %eq3A : i32
    %jit3A = arith.constant 120 : i32
    %jit3A_8 = arith.constant 40 : i32
    %select_n3A = arith.select %eq3A_7, %jit3A, %jit3A_8 : i32
    %mul3A_9 = arith.constant 160 : i32
    %mul3A_10 = arith.muli %arg1, %mul3A_9 : i32
    %mul3A_11 = arith.constant 128 : i32
    %mul3A_12 = arith.muli %mul3A_10, %mul3A_11 : i32
    %mul3A_13 = arith.constant 15360 : i32
    %mul3A_14 = arith.muli %arg0, %mul3A_13 : i32
    %add3A = arith.addi %mul3A_12, %mul3A_14 : i32
    %add3A_15 = arith.constant 0 : i32
    %add3A_16 = arith.addi %add3A, %add3A_15 : i32
    "tpu.region"() ({
      %run_scoped3A = tpu.sem_alloc : memref<!tpu.dma_semaphore, #tpu.memory_space<semaphore_mem>>
      %dma_start3A_70 = tpu.memref_slice %arg3[%add3A_16] : memref<327936xi32, #tpu.memory_space<hbm>> -> memref<128xi32, #tpu.memory_space<hbm>>
      %dma_start3A_71 = tpu.memref_slice %arg3[%add3A_16] : memref<327936xi32, #tpu.memory_space<hbm>> -> memref<128xi32, #tpu.memory_space<hbm>>
      tpu.enqueue_dma source(%dma_start3A_71 : memref<128xi32, #tpu.memory_space<hbm>>) target(%arg7 : memref<128xi32, #tpu.memory_space<vmem>>) target_semaphore(%run_scoped3A : memref<!tpu.dma_semaphore, #tpu.memory_space<semaphore_mem>>)
      %dma_wait3A_72 = tpu.memref_slice %arg3[%add3A_16] : memref<327936xi32, #tpu.memory_space<hbm>> -> memref<128xi32, #tpu.memory_space<hbm>>
      %dma_wait3A_73 = tpu.memref_slice %arg3[%add3A_16] : memref<327936xi32, #tpu.memory_space<hbm>> -> memref<128xi32, #tpu.memory_space<hbm>>
      tpu.wait_dma2 semaphore(%run_scoped3A : memref<!tpu.dma_semaphore, #tpu.memory_space<semaphore_mem>>) src(%dma_wait3A_73 : memref<128xi32, #tpu.memory_space<hbm>>) dst(%arg7 : memref<128xi32, #tpu.memory_space<vmem>>)
      tpu.yield
    }) : () -> ()
    %add3A_17 = arith.constant 0 : i32
    %add3A_18 = arith.addi %add3A, %add3A_17 : i32
    "tpu.region"() ({
      %run_scoped3A = tpu.sem_alloc : memref<!tpu.dma_semaphore, #tpu.memory_space<semaphore_mem>>
      %dma_start3A_70 = tpu.memref_slice %arg4[%add3A_18] : memref<327936xi32, #tpu.memory_space<hbm>> -> memref<128xi32, #tpu.memory_space<hbm>>
      %dma_start3A_71 = tpu.memref_slice %arg4[%add3A_18] : memref<327936xi32, #tpu.memory_space<hbm>> -> memref<128xi32, #tpu.memory_space<hbm>>
      tpu.enqueue_dma source(%dma_start3A_71 : memref<128xi32, #tpu.memory_space<hbm>>) target(%arg9 : memref<128xi32, #tpu.memory_space<vmem>>) target_semaphore(%run_scoped3A : memref<!tpu.dma_semaphore, #tpu.memory_space<semaphore_mem>>)
      %dma_wait3A_72 = tpu.memref_slice %arg4[%add3A_18] : memref<327936xi32, #tpu.memory_space<hbm>> -> memref<128xi32, #tpu.memory_space<hbm>>
      %dma_wait3A_73 = tpu.memref_slice %arg4[%add3A_18] : memref<327936xi32, #tpu.memory_space<hbm>> -> memref<128xi32, #tpu.memory_space<hbm>>
      tpu.wait_dma2 semaphore(%run_scoped3A : memref<!tpu.dma_semaphore, #tpu.memory_space<semaphore_mem>>) src(%dma_wait3A_73 : memref<128xi32, #tpu.memory_space<hbm>>) dst(%arg9 : memref<128xi32, #tpu.memory_space<vmem>>)
      tpu.yield
    }) : () -> ()
    %dma_start3A = arith.constant 0 : i32
    %dma_start3A_19 = arith.constant 0 : i32
    %dma_start3A_20 = tpu.memref_slice %arg2[%dma_start3A, %dma_start3A_19] : memref<20480x128xf32, #tpu.memory_space<hbm>> -> memref<20480x128xf32, #tpu.memory_space<hbm>>
    tpu.enqueue_indirect_dma source(%dma_start3A_20 : memref<20480x128xf32, #tpu.memory_space<hbm>>) target(%arg11 : memref<128x128xf32, #tpu.memory_space<vmem>>) offsets(%arg7 : memref<128xi32, #tpu.memory_space<vmem>>) semaphore(%arg14 : memref<!tpu.dma_semaphore, #tpu.memory_space<semaphore_mem>>)
    %add3A_21 = arith.constant 128 : i32
    %add3A_22 = arith.addi %add3A, %add3A_21 : i32
    "tpu.region"() ({
      %run_scoped3A = tpu.sem_alloc : memref<!tpu.dma_semaphore, #tpu.memory_space<semaphore_mem>>
      %dma_start3A_70 = tpu.memref_slice %arg3[%add3A_22] : memref<327936xi32, #tpu.memory_space<hbm>> -> memref<128xi32, #tpu.memory_space<hbm>>
      %dma_start3A_71 = tpu.memref_slice %arg3[%add3A_22] : memref<327936xi32, #tpu.memory_space<hbm>> -> memref<128xi32, #tpu.memory_space<hbm>>
      tpu.enqueue_dma source(%dma_start3A_71 : memref<128xi32, #tpu.memory_space<hbm>>) target(%arg8 : memref<128xi32, #tpu.memory_space<vmem>>) target_semaphore(%run_scoped3A : memref<!tpu.dma_semaphore, #tpu.memory_space<semaphore_mem>>)
      %dma_wait3A_72 = tpu.memref_slice %arg3[%add3A_22] : memref<327936xi32, #tpu.memory_space<hbm>> -> memref<128xi32, #tpu.memory_space<hbm>>
      %dma_wait3A_73 = tpu.memref_slice %arg3[%add3A_22] : memref<327936xi32, #tpu.memory_space<hbm>> -> memref<128xi32, #tpu.memory_space<hbm>>
      tpu.wait_dma2 semaphore(%run_scoped3A : memref<!tpu.dma_semaphore, #tpu.memory_space<semaphore_mem>>) src(%dma_wait3A_73 : memref<128xi32, #tpu.memory_space<hbm>>) dst(%arg8 : memref<128xi32, #tpu.memory_space<vmem>>)
      tpu.yield
    }) : () -> ()
    %add3A_23 = arith.constant 128 : i32
    %add3A_24 = arith.addi %add3A, %add3A_23 : i32
    "tpu.region"() ({
      %run_scoped3A = tpu.sem_alloc : memref<!tpu.dma_semaphore, #tpu.memory_space<semaphore_mem>>
      %dma_start3A_70 = tpu.memref_slice %arg4[%add3A_24] : memref<327936xi32, #tpu.memory_space<hbm>> -> memref<128xi32, #tpu.memory_space<hbm>>
      %dma_start3A_71 = tpu.memref_slice %arg4[%add3A_24] : memref<327936xi32, #tpu.memory_space<hbm>> -> memref<128xi32, #tpu.memory_space<hbm>>
      tpu.enqueue_dma source(%dma_start3A_71 : memref<128xi32, #tpu.memory_space<hbm>>) target(%arg10 : memref<128xi32, #tpu.memory_space<vmem>>) target_semaphore(%run_scoped3A : memref<!tpu.dma_semaphore, #tpu.memory_space<semaphore_mem>>)
      %dma_wait3A_72 = tpu.memref_slice %arg4[%add3A_24] : memref<327936xi32, #tpu.memory_space<hbm>> -> memref<128xi32, #tpu.memory_space<hbm>>
      %dma_wait3A_73 = tpu.memref_slice %arg4[%add3A_24] : memref<327936xi32, #tpu.memory_space<hbm>> -> memref<128xi32, #tpu.memory_space<hbm>>
      tpu.wait_dma2 semaphore(%run_scoped3A : memref<!tpu.dma_semaphore, #tpu.memory_space<semaphore_mem>>) src(%dma_wait3A_73 : memref<128xi32, #tpu.memory_space<hbm>>) dst(%arg10 : memref<128xi32, #tpu.memory_space<vmem>>)
      tpu.yield
    }) : () -> ()
    %dma_start3A_25 = arith.constant 0 : i32
    %dma_start3A_26 = arith.constant 0 : i32
    %dma_start3A_27 = tpu.memref_slice %arg2[%dma_start3A_25, %dma_start3A_26] : memref<20480x128xf32, #tpu.memory_space<hbm>> -> memref<20480x128xf32, #tpu.memory_space<hbm>>
    tpu.enqueue_indirect_dma source(%dma_start3A_27 : memref<20480x128xf32, #tpu.memory_space<hbm>>) target(%arg12 : memref<128x128xf32, #tpu.memory_space<vmem>>) offsets(%arg8 : memref<128xi32, #tpu.memory_space<vmem>>) semaphore(%arg15 : memref<!tpu.dma_semaphore, #tpu.memory_space<semaphore_mem>>)
    %jit3A_28 = arith.constant 2 : i32
    %div3A = arith.divsi %select_n3A, %jit3A_28 : i32
    %sign3A = arith.constant 0 : i32
    %sign3A_29 = arith.cmpi sgt, %select_n3A, %sign3A : i32
    %sign3A_30 = arith.extui %sign3A_29 : i1 to i32
    %sign3A_31 = arith.constant 0 : i32
    %sign3A_32 = arith.cmpi slt, %select_n3A, %sign3A_31 : i32
    %sign3A_33 = arith.extui %sign3A_32 : i1 to i32
    %sign3A_34 = arith.subi %sign3A_30, %sign3A_33 : i32
    %sign3A_35 = arith.constant 0 : i32
    %sign3A_36 = arith.cmpi sgt, %jit3A_28, %sign3A_35 : i32
    %sign3A_37 = arith.extui %sign3A_36 : i1 to i32
    %sign3A_38 = arith.constant 0 : i32
    %sign3A_39 = arith.cmpi slt, %jit3A_28, %sign3A_38 : i32
    %sign3A_40 = arith.extui %sign3A_39 : i1 to i32
    %sign3A_41 = arith.subi %sign3A_37, %sign3A_40 : i32
    %ne3A = arith.cmpi ne, %sign3A_34, %sign3A_41 : i32
    %rem3A = arith.remsi %select_n3A, %jit3A_28 : i32
    %ne3A_42 = arith.constant 0 : i32
    %ne3A_43 = arith.cmpi ne, %rem3A, %ne3A_42 : i32
    %and3A = arith.andi %ne3A, %ne3A_43 : i1
    %sub3A = arith.constant 1 : i32
    %sub3A_44 = arith.subi %div3A, %sub3A : i32
    %select_n3A_45 = arith.select %and3A, %sub3A_44, %div3A : i32
    %while3A = arith.constant 0 : i32
    %while3A_46 = arith.constant 0 : i32
    %while3A_47 = arith.subi %select_n3A_45, %while3A : i32
    %while3A_48 = arith.addi %while3A, %while3A_47 : i32
    %while3A_49 = arith.constant 1 : i32
    %while3A_50 = arith.divsi %while3A_47, %while3A_49 : i32
    %while3A_51 = arith.muli %while3A_50, %while3A_49 : i32
    %while3A_52 = arith.addi %while3A, %while3A_51 : i32
    %while3A_53 = arith.constant 1 : i32
    %while3A_54 = scf.for %while3A_70 = %while3A to %while3A_52 step %while3A_53 iter_args(%while3A_71 = %while3A_46) -> (i32)  : i32 {
      %mul3A_72 = arith.constant 2 : i32
      %mul3A_73 = arith.muli %mul3A_72, %while3A_70 : i32
      %mul3A_74 = arith.constant 128 : i32
      %mul3A_75 = arith.muli %mul3A_73, %mul3A_74 : i32
      %add3A_76 = arith.addi %add3A, %mul3A_75 : i32
      %dma_wait3A_77 = arith.constant 0 : i32
      %dma_wait3A_78 = arith.constant 0 : i32
      %dma_wait3A_79 = tpu.memref_slice %arg2[%dma_wait3A_77, %dma_wait3A_78] : memref<20480x128xf32, #tpu.memory_space<hbm>> -> memref<20480x128xf32, #tpu.memory_space<hbm>>
      tpu.wait_indirect_dma semaphore(%arg14 : memref<!tpu.dma_semaphore, #tpu.memory_space<semaphore_mem>>) src(%dma_wait3A_79 : memref<20480x128xf32, #tpu.memory_space<hbm>>) dst(%arg11 : memref<128x128xf32, #tpu.memory_space<vmem>>)
      "tpu.region"() ({
        %run_scoped3A = tpu.sem_alloc : memref<!tpu.dma_semaphore, #tpu.memory_space<semaphore_mem>>
        %dma_start3A_94 = arith.constant 0 : i32
        %dma_start3A_95 = arith.constant 0 : i32
        %dma_start3A_96 = tpu.memref_slice %arg13[%dma_start3A_94, %dma_start3A_95] : memref<10240x128xf32, #tpu.memory_space<vmem_shared>> -> memref<10240x128xf32, #tpu.memory_space<vmem_shared>>
        tpu.enqueue_indirect_dma source(%arg11 : memref<128x128xf32, #tpu.memory_space<vmem>>) target(%dma_start3A_96 : memref<10240x128xf32, #tpu.memory_space<vmem_shared>>) offsets(%arg9 : memref<128xi32, #tpu.memory_space<vmem>>) semaphore(%run_scoped3A : memref<!tpu.dma_semaphore, #tpu.memory_space<semaphore_mem>>) {add = true}
        %dma_wait3A_97 = arith.constant 0 : i32
        %dma_wait3A_98 = arith.constant 0 : i32
        %dma_wait3A_99 = tpu.memref_slice %arg13[%dma_wait3A_97, %dma_wait3A_98] : memref<10240x128xf32, #tpu.memory_space<vmem_shared>> -> memref<10240x128xf32, #tpu.memory_space<vmem_shared>>
        tpu.wait_indirect_dma semaphore(%run_scoped3A : memref<!tpu.dma_semaphore, #tpu.memory_space<semaphore_mem>>) src(%arg11 : memref<128x128xf32, #tpu.memory_space<vmem>>) dst(%dma_wait3A_99 : memref<10240x128xf32, #tpu.memory_space<vmem_shared>>)
        tpu.yield
      }) : () -> ()
      %add3A_80 = arith.constant 256 : i32
      %add3A_81 = arith.addi %add3A_76, %add3A_80 : i32
      "tpu.region"() ({
        %run_scoped3A = tpu.sem_alloc : memref<!tpu.dma_semaphore, #tpu.memory_space<semaphore_mem>>
        %dma_start3A_94 = tpu.memref_slice %arg3[%add3A_81] : memref<327936xi32, #tpu.memory_space<hbm>> -> memref<128xi32, #tpu.memory_space<hbm>>
        %dma_start3A_95 = tpu.memref_slice %arg3[%add3A_81] : memref<327936xi32, #tpu.memory_space<hbm>> -> memref<128xi32, #tpu.memory_space<hbm>>
        tpu.enqueue_dma source(%dma_start3A_95 : memref<128xi32, #tpu.memory_space<hbm>>) target(%arg7 : memref<128xi32, #tpu.memory_space<vmem>>) target_semaphore(%run_scoped3A : memref<!tpu.dma_semaphore, #tpu.memory_space<semaphore_mem>>)
        %dma_wait3A_96 = tpu.memref_slice %arg3[%add3A_81] : memref<327936xi32, #tpu.memory_space<hbm>> -> memref<128xi32, #tpu.memory_space<hbm>>
        %dma_wait3A_97 = tpu.memref_slice %arg3[%add3A_81] : memref<327936xi32, #tpu.memory_space<hbm>> -> memref<128xi32, #tpu.memory_space<hbm>>
        tpu.wait_dma2 semaphore(%run_scoped3A : memref<!tpu.dma_semaphore, #tpu.memory_space<semaphore_mem>>) src(%dma_wait3A_97 : memref<128xi32, #tpu.memory_space<hbm>>) dst(%arg7 : memref<128xi32, #tpu.memory_space<vmem>>)
        tpu.yield
      }) : () -> ()
      "tpu.region"() ({
        %run_scoped3A = tpu.sem_alloc : memref<!tpu.dma_semaphore, #tpu.memory_space<semaphore_mem>>
        %dma_start3A_94 = tpu.memref_slice %arg4[%add3A_81] : memref<327936xi32, #tpu.memory_space<hbm>> -> memref<128xi32, #tpu.memory_space<hbm>>
        %dma_start3A_95 = tpu.memref_slice %arg4[%add3A_81] : memref<327936xi32, #tpu.memory_space<hbm>> -> memref<128xi32, #tpu.memory_space<hbm>>
        tpu.enqueue_dma source(%dma_start3A_95 : memref<128xi32, #tpu.memory_space<hbm>>) target(%arg9 : memref<128xi32, #tpu.memory_space<vmem>>) target_semaphore(%run_scoped3A : memref<!tpu.dma_semaphore, #tpu.memory_space<semaphore_mem>>)
        %dma_wait3A_96 = tpu.memref_slice %arg4[%add3A_81] : memref<327936xi32, #tpu.memory_space<hbm>> -> memref<128xi32, #tpu.memory_space<hbm>>
        %dma_wait3A_97 = tpu.memref_slice %arg4[%add3A_81] : memref<327936xi32, #tpu.memory_space<hbm>> -> memref<128xi32, #tpu.memory_space<hbm>>
        tpu.wait_dma2 semaphore(%run_scoped3A : memref<!tpu.dma_semaphore, #tpu.memory_space<semaphore_mem>>) src(%dma_wait3A_97 : memref<128xi32, #tpu.memory_space<hbm>>) dst(%arg9 : memref<128xi32, #tpu.memory_space<vmem>>)
        tpu.yield
      }) : () -> ()
      %dma_start3A_82 = arith.constant 0 : i32
      %dma_start3A_83 = arith.constant 0 : i32
      %dma_start3A_84 = tpu.memref_slice %arg2[%dma_start3A_82, %dma_start3A_83] : memref<20480x128xf32, #tpu.memory_space<hbm>> -> memref<20480x128xf32, #tpu.memory_space<hbm>>
      tpu.enqueue_indirect_dma source(%dma_start3A_84 : memref<20480x128xf32, #tpu.memory_space<hbm>>) target(%arg11 : memref<128x128xf32, #tpu.memory_space<vmem>>) offsets(%arg7 : memref<128xi32, #tpu.memory_space<vmem>>) semaphore(%arg14 : memref<!tpu.dma_semaphore, #tpu.memory_space<semaphore_mem>>)
      %dma_wait3A_85 = arith.constant 0 : i32
      %dma_wait3A_86 = arith.constant 0 : i32
      %dma_wait3A_87 = tpu.memref_slice %arg2[%dma_wait3A_85, %dma_wait3A_86] : memref<20480x128xf32, #tpu.memory_space<hbm>> -> memref<20480x128xf32, #tpu.memory_space<hbm>>
      tpu.wait_indirect_dma semaphore(%arg15 : memref<!tpu.dma_semaphore, #tpu.memory_space<semaphore_mem>>) src(%dma_wait3A_87 : memref<20480x128xf32, #tpu.memory_space<hbm>>) dst(%arg12 : memref<128x128xf32, #tpu.memory_space<vmem>>)
      "tpu.region"() ({
        %run_scoped3A = tpu.sem_alloc : memref<!tpu.dma_semaphore, #tpu.memory_space<semaphore_mem>>
        %dma_start3A_94 = arith.constant 0 : i32
        %dma_start3A_95 = arith.constant 0 : i32
        %dma_start3A_96 = tpu.memref_slice %arg13[%dma_start3A_94, %dma_start3A_95] : memref<10240x128xf32, #tpu.memory_space<vmem_shared>> -> memref<10240x128xf32, #tpu.memory_space<vmem_shared>>
        tpu.enqueue_indirect_dma source(%arg12 : memref<128x128xf32, #tpu.memory_space<vmem>>) target(%dma_start3A_96 : memref<10240x128xf32, #tpu.memory_space<vmem_shared>>) offsets(%arg10 : memref<128xi32, #tpu.memory_space<vmem>>) semaphore(%run_scoped3A : memref<!tpu.dma_semaphore, #tpu.memory_space<semaphore_mem>>) {add = true}
        %dma_wait3A_97 = arith.constant 0 : i32
        %dma_wait3A_98 = arith.constant 0 : i32
        %dma_wait3A_99 = tpu.memref_slice %arg13[%dma_wait3A_97, %dma_wait3A_98] : memref<10240x128xf32, #tpu.memory_space<vmem_shared>> -> memref<10240x128xf32, #tpu.memory_space<vmem_shared>>
        tpu.wait_indirect_dma semaphore(%run_scoped3A : memref<!tpu.dma_semaphore, #tpu.memory_space<semaphore_mem>>) src(%arg12 : memref<128x128xf32, #tpu.memory_space<vmem>>) dst(%dma_wait3A_99 : memref<10240x128xf32, #tpu.memory_space<vmem_shared>>)
        tpu.yield
      }) : () -> ()
      %add3A_88 = arith.constant 384 : i32
      %add3A_89 = arith.addi %add3A_76, %add3A_88 : i32
      "tpu.region"() ({
        %run_scoped3A = tpu.sem_alloc : memref<!tpu.dma_semaphore, #tpu.memory_space<semaphore_mem>>
        %dma_start3A_94 = tpu.memref_slice %arg3[%add3A_89] : memref<327936xi32, #tpu.memory_space<hbm>> -> memref<128xi32, #tpu.memory_space<hbm>>
        %dma_start3A_95 = tpu.memref_slice %arg3[%add3A_89] : memref<327936xi32, #tpu.memory_space<hbm>> -> memref<128xi32, #tpu.memory_space<hbm>>
        tpu.enqueue_dma source(%dma_start3A_95 : memref<128xi32, #tpu.memory_space<hbm>>) target(%arg8 : memref<128xi32, #tpu.memory_space<vmem>>) target_semaphore(%run_scoped3A : memref<!tpu.dma_semaphore, #tpu.memory_space<semaphore_mem>>)
        %dma_wait3A_96 = tpu.memref_slice %arg3[%add3A_89] : memref<327936xi32, #tpu.memory_space<hbm>> -> memref<128xi32, #tpu.memory_space<hbm>>
        %dma_wait3A_97 = tpu.memref_slice %arg3[%add3A_89] : memref<327936xi32, #tpu.memory_space<hbm>> -> memref<128xi32, #tpu.memory_space<hbm>>
        tpu.wait_dma2 semaphore(%run_scoped3A : memref<!tpu.dma_semaphore, #tpu.memory_space<semaphore_mem>>) src(%dma_wait3A_97 : memref<128xi32, #tpu.memory_space<hbm>>) dst(%arg8 : memref<128xi32, #tpu.memory_space<vmem>>)
        tpu.yield
      }) : () -> ()
      "tpu.region"() ({
        %run_scoped3A = tpu.sem_alloc : memref<!tpu.dma_semaphore, #tpu.memory_space<semaphore_mem>>
        %dma_start3A_94 = tpu.memref_slice %arg4[%add3A_89] : memref<327936xi32, #tpu.memory_space<hbm>> -> memref<128xi32, #tpu.memory_space<hbm>>
        %dma_start3A_95 = tpu.memref_slice %arg4[%add3A_89] : memref<327936xi32, #tpu.memory_space<hbm>> -> memref<128xi32, #tpu.memory_space<hbm>>
        tpu.enqueue_dma source(%dma_start3A_95 : memref<128xi32, #tpu.memory_space<hbm>>) target(%arg10 : memref<128xi32, #tpu.memory_space<vmem>>) target_semaphore(%run_scoped3A : memref<!tpu.dma_semaphore, #tpu.memory_space<semaphore_mem>>)
        %dma_wait3A_96 = tpu.memref_slice %arg4[%add3A_89] : memref<327936xi32, #tpu.memory_space<hbm>> -> memref<128xi32, #tpu.memory_space<hbm>>
        %dma_wait3A_97 = tpu.memref_slice %arg4[%add3A_89] : memref<327936xi32, #tpu.memory_space<hbm>> -> memref<128xi32, #tpu.memory_space<hbm>>
        tpu.wait_dma2 semaphore(%run_scoped3A : memref<!tpu.dma_semaphore, #tpu.memory_space<semaphore_mem>>) src(%dma_wait3A_97 : memref<128xi32, #tpu.memory_space<hbm>>) dst(%arg10 : memref<128xi32, #tpu.memory_space<vmem>>)
        tpu.yield
      }) : () -> ()
      %dma_start3A_90 = arith.constant 0 : i32
      %dma_start3A_91 = arith.constant 0 : i32
      %dma_start3A_92 = tpu.memref_slice %arg2[%dma_start3A_90, %dma_start3A_91] : memref<20480x128xf32, #tpu.memory_space<hbm>> -> memref<20480x128xf32, #tpu.memory_space<hbm>>
      tpu.enqueue_indirect_dma source(%dma_start3A_92 : memref<20480x128xf32, #tpu.memory_space<hbm>>) target(%arg12 : memref<128x128xf32, #tpu.memory_space<vmem>>) offsets(%arg8 : memref<128xi32, #tpu.memory_space<vmem>>) semaphore(%arg15 : memref<!tpu.dma_semaphore, #tpu.memory_space<semaphore_mem>>)
      %while3A_93 = arith.constant 0 : i32
      scf.yield %while3A_93 : i32
    }
    %while3A_55 = arith.constant 1 : i32
    %while3A_56 = scf.for %while3A_70 = %while3A_52 to %while3A_48 step %while3A_55 iter_args(%while3A_71 = %while3A_54) -> (i32)  : i32 {
      %mul3A_72 = arith.constant 2 : i32
      %mul3A_73 = arith.muli %mul3A_72, %while3A_70 : i32
      %mul3A_74 = arith.constant 128 : i32
      %mul3A_75 = arith.muli %mul3A_73, %mul3A_74 : i32
      %add3A_76 = arith.addi %add3A, %mul3A_75 : i32
      %dma_wait3A_77 = arith.constant 0 : i32
      %dma_wait3A_78 = arith.constant 0 : i32
      %dma_wait3A_79 = tpu.memref_slice %arg2[%dma_wait3A_77, %dma_wait3A_78] : memref<20480x128xf32, #tpu.memory_space<hbm>> -> memref<20480x128xf32, #tpu.memory_space<hbm>>
      tpu.wait_indirect_dma semaphore(%arg14 : memref<!tpu.dma_semaphore, #tpu.memory_space<semaphore_mem>>) src(%dma_wait3A_79 : memref<20480x128xf32, #tpu.memory_space<hbm>>) dst(%arg11 : memref<128x128xf32, #tpu.memory_space<vmem>>)
      "tpu.region"() ({
        %run_scoped3A = tpu.sem_alloc : memref<!tpu.dma_semaphore, #tpu.memory_space<semaphore_mem>>
        %dma_start3A_94 = arith.constant 0 : i32
        %dma_start3A_95 = arith.constant 0 : i32
        %dma_start3A_96 = tpu.memref_slice %arg13[%dma_start3A_94, %dma_start3A_95] : memref<10240x128xf32, #tpu.memory_space<vmem_shared>> -> memref<10240x128xf32, #tpu.memory_space<vmem_shared>>
        tpu.enqueue_indirect_dma source(%arg11 : memref<128x128xf32, #tpu.memory_space<vmem>>) target(%dma_start3A_96 : memref<10240x128xf32, #tpu.memory_space<vmem_shared>>) offsets(%arg9 : memref<128xi32, #tpu.memory_space<vmem>>) semaphore(%run_scoped3A : memref<!tpu.dma_semaphore, #tpu.memory_space<semaphore_mem>>) {add = true}
        %dma_wait3A_97 = arith.constant 0 : i32
        %dma_wait3A_98 = arith.constant 0 : i32
        %dma_wait3A_99 = tpu.memref_slice %arg13[%dma_wait3A_97, %dma_wait3A_98] : memref<10240x128xf32, #tpu.memory_space<vmem_shared>> -> memref<10240x128xf32, #tpu.memory_space<vmem_shared>>
        tpu.wait_indirect_dma semaphore(%run_scoped3A : memref<!tpu.dma_semaphore, #tpu.memory_space<semaphore_mem>>) src(%arg11 : memref<128x128xf32, #tpu.memory_space<vmem>>) dst(%dma_wait3A_99 : memref<10240x128xf32, #tpu.memory_space<vmem_shared>>)
        tpu.yield
      }) : () -> ()
      %add3A_80 = arith.constant 256 : i32
      %add3A_81 = arith.addi %add3A_76, %add3A_80 : i32
      "tpu.region"() ({
        %run_scoped3A = tpu.sem_alloc : memref<!tpu.dma_semaphore, #tpu.memory_space<semaphore_mem>>
        %dma_start3A_94 = tpu.memref_slice %arg3[%add3A_81] : memref<327936xi32, #tpu.memory_space<hbm>> -> memref<128xi32, #tpu.memory_space<hbm>>
        %dma_start3A_95 = tpu.memref_slice %arg3[%add3A_81] : memref<327936xi32, #tpu.memory_space<hbm>> -> memref<128xi32, #tpu.memory_space<hbm>>
        tpu.enqueue_dma source(%dma_start3A_95 : memref<128xi32, #tpu.memory_space<hbm>>) target(%arg7 : memref<128xi32, #tpu.memory_space<vmem>>) target_semaphore(%run_scoped3A : memref<!tpu.dma_semaphore, #tpu.memory_space<semaphore_mem>>)
        %dma_wait3A_96 = tpu.memref_slice %arg3[%add3A_81] : memref<327936xi32, #tpu.memory_space<hbm>> -> memref<128xi32, #tpu.memory_space<hbm>>
        %dma_wait3A_97 = tpu.memref_slice %arg3[%add3A_81] : memref<327936xi32, #tpu.memory_space<hbm>> -> memref<128xi32, #tpu.memory_space<hbm>>
        tpu.wait_dma2 semaphore(%run_scoped3A : memref<!tpu.dma_semaphore, #tpu.memory_space<semaphore_mem>>) src(%dma_wait3A_97 : memref<128xi32, #tpu.memory_space<hbm>>) dst(%arg7 : memref<128xi32, #tpu.memory_space<vmem>>)
        tpu.yield
      }) : () -> ()
      "tpu.region"() ({
        %run_scoped3A = tpu.sem_alloc : memref<!tpu.dma_semaphore, #tpu.memory_space<semaphore_mem>>
        %dma_start3A_94 = tpu.memref_slice %arg4[%add3A_81] : memref<327936xi32, #tpu.memory_space<hbm>> -> memref<128xi32, #tpu.memory_space<hbm>>
        %dma_start3A_95 = tpu.memref_slice %arg4[%add3A_81] : memref<327936xi32, #tpu.memory_space<hbm>> -> memref<128xi32, #tpu.memory_space<hbm>>
        tpu.enqueue_dma source(%dma_start3A_95 : memref<128xi32, #tpu.memory_space<hbm>>) target(%arg9 : memref<128xi32, #tpu.memory_space<vmem>>) target_semaphore(%run_scoped3A : memref<!tpu.dma_semaphore, #tpu.memory_space<semaphore_mem>>)
        %dma_wait3A_96 = tpu.memref_slice %arg4[%add3A_81] : memref<327936xi32, #tpu.memory_space<hbm>> -> memref<128xi32, #tpu.memory_space<hbm>>
        %dma_wait3A_97 = tpu.memref_slice %arg4[%add3A_81] : memref<327936xi32, #tpu.memory_space<hbm>> -> memref<128xi32, #tpu.memory_space<hbm>>
        tpu.wait_dma2 semaphore(%run_scoped3A : memref<!tpu.dma_semaphore, #tpu.memory_space<semaphore_mem>>) src(%dma_wait3A_97 : memref<128xi32, #tpu.memory_space<hbm>>) dst(%arg9 : memref<128xi32, #tpu.memory_space<vmem>>)
        tpu.yield
      }) : () -> ()
      %dma_start3A_82 = arith.constant 0 : i32
      %dma_start3A_83 = arith.constant 0 : i32
      %dma_start3A_84 = tpu.memref_slice %arg2[%dma_start3A_82, %dma_start3A_83] : memref<20480x128xf32, #tpu.memory_space<hbm>> -> memref<20480x128xf32, #tpu.memory_space<hbm>>
      tpu.enqueue_indirect_dma source(%dma_start3A_84 : memref<20480x128xf32, #tpu.memory_space<hbm>>) target(%arg11 : memref<128x128xf32, #tpu.memory_space<vmem>>) offsets(%arg7 : memref<128xi32, #tpu.memory_space<vmem>>) semaphore(%arg14 : memref<!tpu.dma_semaphore, #tpu.memory_space<semaphore_mem>>)
      %dma_wait3A_85 = arith.constant 0 : i32
      %dma_wait3A_86 = arith.constant 0 : i32
      %dma_wait3A_87 = tpu.memref_slice %arg2[%dma_wait3A_85, %dma_wait3A_86] : memref<20480x128xf32, #tpu.memory_space<hbm>> -> memref<20480x128xf32, #tpu.memory_space<hbm>>
      tpu.wait_indirect_dma semaphore(%arg15 : memref<!tpu.dma_semaphore, #tpu.memory_space<semaphore_mem>>) src(%dma_wait3A_87 : memref<20480x128xf32, #tpu.memory_space<hbm>>) dst(%arg12 : memref<128x128xf32, #tpu.memory_space<vmem>>)
      "tpu.region"() ({
        %run_scoped3A = tpu.sem_alloc : memref<!tpu.dma_semaphore, #tpu.memory_space<semaphore_mem>>
        %dma_start3A_94 = arith.constant 0 : i32
        %dma_start3A_95 = arith.constant 0 : i32
        %dma_start3A_96 = tpu.memref_slice %arg13[%dma_start3A_94, %dma_start3A_95] : memref<10240x128xf32, #tpu.memory_space<vmem_shared>> -> memref<10240x128xf32, #tpu.memory_space<vmem_shared>>
        tpu.enqueue_indirect_dma source(%arg12 : memref<128x128xf32, #tpu.memory_space<vmem>>) target(%dma_start3A_96 : memref<10240x128xf32, #tpu.memory_space<vmem_shared>>) offsets(%arg10 : memref<128xi32, #tpu.memory_space<vmem>>) semaphore(%run_scoped3A : memref<!tpu.dma_semaphore, #tpu.memory_space<semaphore_mem>>) {add = true}
        %dma_wait3A_97 = arith.constant 0 : i32
        %dma_wait3A_98 = arith.constant 0 : i32
        %dma_wait3A_99 = tpu.memref_slice %arg13[%dma_wait3A_97, %dma_wait3A_98] : memref<10240x128xf32, #tpu.memory_space<vmem_shared>> -> memref<10240x128xf32, #tpu.memory_space<vmem_shared>>
        tpu.wait_indirect_dma semaphore(%run_scoped3A : memref<!tpu.dma_semaphore, #tpu.memory_space<semaphore_mem>>) src(%arg12 : memref<128x128xf32, #tpu.memory_space<vmem>>) dst(%dma_wait3A_99 : memref<10240x128xf32, #tpu.memory_space<vmem_shared>>)
        tpu.yield
      }) : () -> ()
      %add3A_88 = arith.constant 384 : i32
      %add3A_89 = arith.addi %add3A_76, %add3A_88 : i32
      "tpu.region"() ({
        %run_scoped3A = tpu.sem_alloc : memref<!tpu.dma_semaphore, #tpu.memory_space<semaphore_mem>>
        %dma_start3A_94 = tpu.memref_slice %arg3[%add3A_89] : memref<327936xi32, #tpu.memory_space<hbm>> -> memref<128xi32, #tpu.memory_space<hbm>>
        %dma_start3A_95 = tpu.memref_slice %arg3[%add3A_89] : memref<327936xi32, #tpu.memory_space<hbm>> -> memref<128xi32, #tpu.memory_space<hbm>>
        tpu.enqueue_dma source(%dma_start3A_95 : memref<128xi32, #tpu.memory_space<hbm>>) target(%arg8 : memref<128xi32, #tpu.memory_space<vmem>>) target_semaphore(%run_scoped3A : memref<!tpu.dma_semaphore, #tpu.memory_space<semaphore_mem>>)
        %dma_wait3A_96 = tpu.memref_slice %arg3[%add3A_89] : memref<327936xi32, #tpu.memory_space<hbm>> -> memref<128xi32, #tpu.memory_space<hbm>>
        %dma_wait3A_97 = tpu.memref_slice %arg3[%add3A_89] : memref<327936xi32, #tpu.memory_space<hbm>> -> memref<128xi32, #tpu.memory_space<hbm>>
        tpu.wait_dma2 semaphore(%run_scoped3A : memref<!tpu.dma_semaphore, #tpu.memory_space<semaphore_mem>>) src(%dma_wait3A_97 : memref<128xi32, #tpu.memory_space<hbm>>) dst(%arg8 : memref<128xi32, #tpu.memory_space<vmem>>)
        tpu.yield
      }) : () -> ()
      "tpu.region"() ({
        %run_scoped3A = tpu.sem_alloc : memref<!tpu.dma_semaphore, #tpu.memory_space<semaphore_mem>>
        %dma_start3A_94 = tpu.memref_slice %arg4[%add3A_89] : memref<327936xi32, #tpu.memory_space<hbm>> -> memref<128xi32, #tpu.memory_space<hbm>>
        %dma_start3A_95 = tpu.memref_slice %arg4[%add3A_89] : memref<327936xi32, #tpu.memory_space<hbm>> -> memref<128xi32, #tpu.memory_space<hbm>>
        tpu.enqueue_dma source(%dma_start3A_95 : memref<128xi32, #tpu.memory_space<hbm>>) target(%arg10 : memref<128xi32, #tpu.memory_space<vmem>>) target_semaphore(%run_scoped3A : memref<!tpu.dma_semaphore, #tpu.memory_space<semaphore_mem>>)
        %dma_wait3A_96 = tpu.memref_slice %arg4[%add3A_89] : memref<327936xi32, #tpu.memory_space<hbm>> -> memref<128xi32, #tpu.memory_space<hbm>>
        %dma_wait3A_97 = tpu.memref_slice %arg4[%add3A_89] : memref<327936xi32, #tpu.memory_space<hbm>> -> memref<128xi32, #tpu.memory_space<hbm>>
        tpu.wait_dma2 semaphore(%run_scoped3A : memref<!tpu.dma_semaphore, #tpu.memory_space<semaphore_mem>>) src(%dma_wait3A_97 : memref<128xi32, #tpu.memory_space<hbm>>) dst(%arg10 : memref<128xi32, #tpu.memory_space<vmem>>)
        tpu.yield
      }) : () -> ()
      %dma_start3A_90 = arith.constant 0 : i32
      %dma_start3A_91 = arith.constant 0 : i32
      %dma_start3A_92 = tpu.memref_slice %arg2[%dma_start3A_90, %dma_start3A_91] : memref<20480x128xf32, #tpu.memory_space<hbm>> -> memref<20480x128xf32, #tpu.memory_space<hbm>>
      tpu.enqueue_indirect_dma source(%dma_start3A_92 : memref<20480x128xf32, #tpu.memory_space<hbm>>) target(%arg12 : memref<128x128xf32, #tpu.memory_space<vmem>>) offsets(%arg8 : memref<128xi32, #tpu.memory_space<vmem>>) semaphore(%arg15 : memref<!tpu.dma_semaphore, #tpu.memory_space<semaphore_mem>>)
      %while3A_93 = arith.constant 0 : i32
      scf.yield %while3A_93 : i32
    }
    %dma_wait3A = arith.constant 0 : i32
    %dma_wait3A_57 = arith.constant 0 : i32
    %dma_wait3A_58 = tpu.memref_slice %arg2[%dma_wait3A, %dma_wait3A_57] : memref<20480x128xf32, #tpu.memory_space<hbm>> -> memref<20480x128xf32, #tpu.memory_space<hbm>>
    tpu.wait_indirect_dma semaphore(%arg14 : memref<!tpu.dma_semaphore, #tpu.memory_space<semaphore_mem>>) src(%dma_wait3A_58 : memref<20480x128xf32, #tpu.memory_space<hbm>>) dst(%arg11 : memref<128x128xf32, #tpu.memory_space<vmem>>)
    %dma_wait3A_59 = arith.constant 0 : i32
    %dma_wait3A_60 = arith.constant 0 : i32
    %dma_wait3A_61 = tpu.memref_slice %arg2[%dma_wait3A_59, %dma_wait3A_60] : memref<20480x128xf32, #tpu.memory_space<hbm>> -> memref<20480x128xf32, #tpu.memory_space<hbm>>
    tpu.wait_indirect_dma semaphore(%arg15 : memref<!tpu.dma_semaphore, #tpu.memory_space<semaphore_mem>>) src(%dma_wait3A_61 : memref<20480x128xf32, #tpu.memory_space<hbm>>) dst(%arg12 : memref<128x128xf32, #tpu.memory_space<vmem>>)
    %barrier3A_62 = arith.constant 0 : index
    tpu.barrier barrier_id(%barrier3A_62)
    %scan3A_63 = arith.constant 0 : i32
    %scan3A_64 = arith.constant 0 : i32
    %scan3A_65 = arith.constant 5 : i32
    %scan3A_66 = arith.addi %scan3A_64, %scan3A_65 : i32
    %scan3A_67 = arith.constant 1 : i32
    %scan3A_68 = scf.for %scan3A_70 = %scan3A_64 to %scan3A_66 step %scan3A_67 iter_args(%scan3A_71 = %scan3A_63) -> (i32)  : i32 {
      %mul3A_72 = arith.constant 128 : i32
      %mul3A_73 = arith.muli %scan3A_70, %mul3A_72 : i32
      %add3A_74 = arith.addi %mul3A_0, %mul3A_73 : i32
      %mul3A_75 = arith.constant 10240 : i32
      %mul3A_76 = arith.muli %arg0, %mul3A_75 : i32
      %add3A_77 = arith.addi %mul3A_76, %add3A_74 : i32
      "tpu.region"() ({
        %run_scoped3A = tpu.sem_alloc : memref<!tpu.dma_semaphore, #tpu.memory_space<semaphore_mem>>
        %dma_start3A_79 = arith.constant 0 : i32
        %dma_start3A_80 = tpu.memref_slice %arg6[%add3A_77, %dma_start3A_79] : memref<20480x128xf32, #tpu.memory_space<hbm>> -> memref<128x128xf32, #tpu.memory_space<hbm>>
        %dma_start3A_81 = arith.constant 0 : i32
        %dma_start3A_82 = tpu.memref_slice %arg13[%add3A_74, %dma_start3A_81] : memref<10240x128xf32, #tpu.memory_space<vmem_shared>> -> memref<128x128xf32, #tpu.memory_space<vmem_shared>>
        tpu.enqueue_dma source(%dma_start3A_82 : memref<128x128xf32, #tpu.memory_space<vmem_shared>>) target(%dma_start3A_80 : memref<128x128xf32, #tpu.memory_space<hbm>>) target_semaphore(%run_scoped3A : memref<!tpu.dma_semaphore, #tpu.memory_space<semaphore_mem>>)
        %dma_wait3A_83 = arith.constant 0 : i32
        %dma_wait3A_84 = tpu.memref_slice %arg6[%add3A_77, %dma_wait3A_83] : memref<20480x128xf32, #tpu.memory_space<hbm>> -> memref<128x128xf32, #tpu.memory_space<hbm>>
        %dma_wait3A_85 = arith.constant 0 : i32
        %dma_wait3A_86 = tpu.memref_slice %arg13[%add3A_74, %dma_wait3A_85] : memref<10240x128xf32, #tpu.memory_space<vmem_shared>> -> memref<128x128xf32, #tpu.memory_space<vmem_shared>>
        tpu.wait_dma2 semaphore(%run_scoped3A : memref<!tpu.dma_semaphore, #tpu.memory_space<semaphore_mem>>) src(%dma_wait3A_86 : memref<128x128xf32, #tpu.memory_space<vmem_shared>>) dst(%dma_wait3A_84 : memref<128x128xf32, #tpu.memory_space<hbm>>)
        tpu.yield
      }) : () -> ()
      %scan3A_78 = arith.constant 0 : i32
      scf.yield %scan3A_78 : i32
    }
    %scan3A_69 = arith.constant 5 : i32
    return
  }
}

module attributes {stable_mosaic.version = 14 : i64} {
  func.func @_mm_scale_body(%arg0: i32, %arg1: memref<512x128xf32, #tpu.memory_space<vmem>>, %arg2: memref<128x128xf32, #tpu.memory_space<vmem>>, %arg3: memref<2x512x128xf32, #tpu.memory_space<vmem>>, %arg4: memref<512x128xf32, #tpu.memory_space<vmem>>) attributes {dimension_semantics = [#tpu.dimension_semantics<arbitrary>], iteration_bounds = array<i64: 20>, scalar_prefetch = 0 : i64, scratch_operands = 0 : i64, tpu.core_type = #tpu.core_type<tc>, window_params = [{transform_indices = @transform_0, window_bounds = array<i64: 512, 128>}, {pipeline_mode = #tpu.pipeline_mode<synchronous>, transform_indices = @transform_1, window_bounds = array<i64: 128, 128>}, {transform_indices = @transform_2, window_bounds = array<i64: 2, 512, 128>}, {transform_indices = @transform_3, window_bounds = array<i64: 512, 128>}]} {
    %get3A = arith.constant 0 : index
    %get3A_0 = arith.constant 0 : index
    %get3A_1 = arith.constant 0 : index
    %get3A_2 = vector.load %arg3[%get3A, %get3A_0, %get3A_1] : memref<2x512x128xf32, #tpu.memory_space<vmem>>, vector<1x512x1xf32>
    %get3A_3 = vector.shape_cast %get3A_2 : vector<1x512x1xf32> to vector<512x1xf32>
    %get3A_4 = arith.constant 1 : index
    %get3A_5 = arith.constant 0 : index
    %get3A_6 = arith.constant 0 : index
    %get3A_7 = vector.load %arg3[%get3A_4, %get3A_5, %get3A_6] : memref<2x512x128xf32, #tpu.memory_space<vmem>>, vector<1x512x1xf32>
    %get3A_8 = vector.shape_cast %get3A_7 : vector<1x512x1xf32> to vector<512x1xf32>
    %add3A = arith.addf %get3A_3, %get3A_8 : vector<512x1xf32>
    %add3A_9 = arith.constant 1.000000e+00 : f32
    %add3A_10 = vector.broadcast %add3A_9 : f32 to vector<512x1xf32>
    %add3A_11 = arith.addf %add3A, %add3A_10 : vector<512x1xf32>
    %mul3A = arith.constant 512 : i32
    %mul3A_12 = arith.muli %arg0, %mul3A : i32
    %iota3A = tpu.iota {dimensions = array<i32: 0>} : vector<512x1xi32>
    %add3A_13 = vector.broadcast %mul3A_12 : i32 to vector<512x1xi32>
    %add3A_14 = arith.addi %add3A_13, %iota3A : vector<512x1xi32>
    %lt3A = arith.constant 10000 : i32
    %lt3A_15 = vector.broadcast %lt3A : i32 to vector<512x1xi32>
    %lt3A_16 = arith.cmpi slt, %add3A_14, %lt3A_15 : vector<512x1xi32>
    %rsqrt3A = math.rsqrt %add3A_11 : vector<512x1xf32>
    %jit3A = arith.constant 0.000000e+00 : f32
    %broadcast_in_dim3A = vector.broadcast %jit3A : f32 to vector<512x1xf32>
    %select_n3A = arith.select %lt3A_16, %rsqrt3A, %broadcast_in_dim3A : vector<512x1xi1>, vector<512x1xf32>
    %get3A_17 = arith.constant 0 : index
    %get3A_18 = arith.constant 0 : index
    %get3A_19 = vector.load %arg1[%get3A_17, %get3A_18] : memref<512x128xf32, #tpu.memory_space<vmem>>, vector<512x128xf32>
    %get3A_20 = arith.constant 0 : index
    %get3A_21 = arith.constant 0 : index
    %get3A_22 = vector.load %arg2[%get3A_20, %get3A_21] : memref<128x128xf32, #tpu.memory_space<vmem>>, vector<128x128xf32>
    %dot_general3A = arith.constant dense<0.000000e+00> : vector<512x128xf32>
    %dot_general3A_23 = tpu.matmul %get3A_19, %get3A_22, %dot_general3A {dimension_numbers = #tpu.dot_dimension_numbers<[1], [0], [0], [1], [0, 0, 1, 1], [], []>, transpose_lhs_hint = false} : vector<512x128xf32>, vector<128x128xf32>, vector<512x128xf32> -> vector<512x128xf32>
    %mul3A_24 = vector.broadcast %select_n3A : vector<512x1xf32> to vector<512x128xf32>
    %mul3A_25 = arith.mulf %mul3A_24, %dot_general3A_23 : vector<512x128xf32>
    %swap3A = arith.constant 0 : index
    %swap3A_26 = arith.constant 0 : index
    %swap3A_27 = vector.load %arg4[%swap3A, %swap3A_26] : memref<512x128xf32, #tpu.memory_space<vmem>>, vector<512x128xf32>
    tpu.vector_store %arg4[%swap3A, %swap3A_26], %mul3A_25 {strides = array<i32>} : memref<512x128xf32, #tpu.memory_space<vmem>>, vector<512x128xf32>,
    return
  }
  func.func @transform_0(%arg0: i32) -> (i32, i32) {
    %c0_i32 = arith.constant 0 : i32
    %c0_i32_0 = arith.constant 0 : i32
    return %arg0, %c0_i32 : i32, i32
  }
  func.func @transform_1(%arg0: i32) -> (i32, i32) {
    %c0_i32 = arith.constant 0 : i32
    %c0_i32_0 = arith.constant 0 : i32
    %c0_i32_1 = arith.constant 0 : i32
    return %c0_i32, %c0_i32_0 : i32, i32
  }
  func.func @transform_2(%arg0: i32) -> (i32, i32, i32) {
    %c0_i32 = arith.constant 0 : i32
    %c0_i32_0 = arith.constant 0 : i32
    %c0_i32_1 = arith.constant 0 : i32
    return %c0_i32, %arg0, %c0_i32_0 : i32, i32, i32
  }
  func.func @transform_3(%arg0: i32) -> (i32, i32) {
    %c0_i32 = arith.constant 0 : i32
    %c0_i32_0 = arith.constant 0 : i32
    return %arg0, %c0_i32 : i32, i32
  }
}

module attributes {stable_mosaic.version = 14 : i64} {
  func.func @_layer2_body(%arg0: i32, %arg1: memref<2x512x128xf32, #tpu.memory_space<vmem>>, %arg2: memref<512x128xf32, #tpu.memory_space<vmem>>, %arg3: memref<2x512x128xf32, #tpu.memory_space<vmem>>, %arg4: memref<1x128xf32, #tpu.memory_space<vmem>>, %arg5: memref<128x128xf32, #tpu.memory_space<vmem>>, %arg6: memref<512x128xf32, #tpu.memory_space<vmem>>) attributes {dimension_semantics = [#tpu.dimension_semantics<arbitrary>], iteration_bounds = array<i64: 20>, scalar_prefetch = 0 : i64, scratch_operands = 0 : i64, tpu.core_type = #tpu.core_type<tc>, window_params = [{transform_indices = @transform_0, window_bounds = array<i64: 2, 512, 128>}, {transform_indices = @transform_1, window_bounds = array<i64: 512, 128>}, {transform_indices = @transform_2, window_bounds = array<i64: 2, 512, 128>}, {pipeline_mode = #tpu.pipeline_mode<synchronous>, transform_indices = @transform_3, window_bounds = array<i64: 1, 128>}, {pipeline_mode = #tpu.pipeline_mode<synchronous>, transform_indices = @transform_4, window_bounds = array<i64: 128, 128>}, {transform_indices = @transform_5, window_bounds = array<i64: 512, 128>}]} {
    %get3A = arith.constant 0 : index
    %get3A_0 = arith.constant 0 : index
    %get3A_1 = arith.constant 0 : index
    %get3A_2 = vector.load %arg3[%get3A, %get3A_0, %get3A_1] : memref<2x512x128xf32, #tpu.memory_space<vmem>>, vector<1x512x1xf32>
    %get3A_3 = vector.shape_cast %get3A_2 : vector<1x512x1xf32> to vector<512x1xf32>
    %get3A_4 = arith.constant 1 : index
    %get3A_5 = arith.constant 0 : index
    %get3A_6 = arith.constant 0 : index
    %get3A_7 = vector.load %arg3[%get3A_4, %get3A_5, %get3A_6] : memref<2x512x128xf32, #tpu.memory_space<vmem>>, vector<1x512x1xf32>
    %get3A_8 = vector.shape_cast %get3A_7 : vector<1x512x1xf32> to vector<512x1xf32>
    %add3A = arith.addf %get3A_3, %get3A_8 : vector<512x1xf32>
    %add3A_9 = arith.constant 1.000000e+00 : f32
    %add3A_10 = vector.broadcast %add3A_9 : f32 to vector<512x1xf32>
    %add3A_11 = arith.addf %add3A, %add3A_10 : vector<512x1xf32>
    %mul3A = arith.constant 512 : i32
    %mul3A_12 = arith.muli %arg0, %mul3A : i32
    %iota3A = tpu.iota {dimensions = array<i32: 0>} : vector<512x1xi32>
    %add3A_13 = vector.broadcast %mul3A_12 : i32 to vector<512x1xi32>
    %add3A_14 = arith.addi %add3A_13, %iota3A : vector<512x1xi32>
    %lt3A = arith.constant 10000 : i32
    %lt3A_15 = vector.broadcast %lt3A : i32 to vector<512x1xi32>
    %lt3A_16 = arith.cmpi slt, %add3A_14, %lt3A_15 : vector<512x1xi32>
    %rsqrt3A = math.rsqrt %add3A_11 : vector<512x1xf32>
    %jit3A = arith.constant 0.000000e+00 : f32
    %broadcast_in_dim3A = vector.broadcast %jit3A : f32 to vector<512x1xf32>
    %select_n3A = arith.select %lt3A_16, %rsqrt3A, %broadcast_in_dim3A : vector<512x1xi1>, vector<512x1xf32>
    %get3A_17 = arith.constant 0 : index
    %get3A_18 = arith.constant 0 : index
    %get3A_19 = arith.constant 0 : index
    %get3A_20 = vector.load %arg1[%get3A_17, %get3A_18, %get3A_19] : memref<2x512x128xf32, #tpu.memory_space<vmem>>, vector<1x512x128xf32>
    %get3A_21 = vector.shape_cast %get3A_20 : vector<1x512x128xf32> to vector<512x128xf32>
    %get3A_22 = arith.constant 1 : index
    %get3A_23 = arith.constant 0 : index
    %get3A_24 = arith.constant 0 : index
    %get3A_25 = vector.load %arg1[%get3A_22, %get3A_23, %get3A_24] : memref<2x512x128xf32, #tpu.memory_space<vmem>>, vector<1x512x128xf32>
    %get3A_26 = vector.shape_cast %get3A_25 : vector<1x512x128xf32> to vector<512x128xf32>
    %add3A_27 = arith.addf %get3A_21, %get3A_26 : vector<512x128xf32>
    %get3A_28 = arith.constant 0 : index
    %get3A_29 = arith.constant 0 : index
    %get3A_30 = vector.load %arg2[%get3A_28, %get3A_29] : memref<512x128xf32, #tpu.memory_space<vmem>>, vector<512x128xf32>
    %add3A_31 = arith.addf %add3A_27, %get3A_30 : vector<512x128xf32>
    %mul3A_32 = vector.broadcast %select_n3A : vector<512x1xf32> to vector<512x128xf32>
    %mul3A_33 = arith.mulf %mul3A_32, %add3A_31 : vector<512x128xf32>
    %get3A_34 = arith.constant 0 : index
    %get3A_35 = arith.constant 0 : index
    %get3A_36 = vector.load %arg4[%get3A_34, %get3A_35] : memref<1x128xf32, #tpu.memory_space<vmem>>, vector<1x128xf32>
    %add3A_37 = vector.broadcast %get3A_36 : vector<1x128xf32> to vector<512x128xf32>
    %add3A_38 = arith.addf %mul3A_33, %add3A_37 : vector<512x128xf32>
    %gt3A = arith.constant 0.000000e+00 : f32
    %gt3A_39 = vector.broadcast %gt3A : f32 to vector<512x128xf32>
    %gt3A_40 = arith.cmpf ogt, %add3A_38, %gt3A_39 : vector<512x128xf32>
    %mul3A_41 = arith.constant 0.00999999977 : f32
    %mul3A_42 = vector.broadcast %mul3A_41 : f32 to vector<512x128xf32>
    %mul3A_43 = arith.mulf %mul3A_42, %add3A_38 : vector<512x128xf32>
    %select_n3A_44 = arith.select %gt3A_40, %add3A_38, %mul3A_43 : vector<512x128xi1>, vector<512x128xf32>
    %get3A_45 = arith.constant 0 : index
    %get3A_46 = arith.constant 0 : index
    %get3A_47 = vector.load %arg5[%get3A_45, %get3A_46] : memref<128x128xf32, #tpu.memory_space<vmem>>, vector<128x128xf32>
    %dot_general3A = arith.constant dense<0.000000e+00> : vector<512x128xf32>
    %dot_general3A_48 = tpu.matmul %select_n3A_44, %get3A_47, %dot_general3A {dimension_numbers = #tpu.dot_dimension_numbers<[1], [0], [0], [1], [0, 0, 1, 1], [], []>, transpose_lhs_hint = false} : vector<512x128xf32>, vector<128x128xf32>, vector<512x128xf32> -> vector<512x128xf32>
    %mul3A_49 = vector.broadcast %select_n3A : vector<512x1xf32> to vector<512x128xf32>
    %mul3A_50 = arith.mulf %mul3A_49, %dot_general3A_48 : vector<512x128xf32>
    %swap3A = arith.constant 0 : index
    %swap3A_51 = arith.constant 0 : index
    %swap3A_52 = vector.load %arg6[%swap3A, %swap3A_51] : memref<512x128xf32, #tpu.memory_space<vmem>>, vector<512x128xf32>
    tpu.vector_store %arg6[%swap3A, %swap3A_51], %mul3A_50 {strides = array<i32>} : memref<512x128xf32, #tpu.memory_space<vmem>>, vector<512x128xf32>,
    return
  }
  func.func @transform_0(%arg0: i32) -> (i32, i32, i32) {
    %c0_i32 = arith.constant 0 : i32
    %c0_i32_0 = arith.constant 0 : i32
    %c0_i32_1 = arith.constant 0 : i32
    return %c0_i32, %arg0, %c0_i32_0 : i32, i32, i32
  }
  func.func @transform_1(%arg0: i32) -> (i32, i32) {
    %c0_i32 = arith.constant 0 : i32
    %c0_i32_0 = arith.constant 0 : i32
    return %arg0, %c0_i32 : i32, i32
  }
  func.func @transform_2(%arg0: i32) -> (i32, i32, i32) {
    %c0_i32 = arith.constant 0 : i32
    %c0_i32_0 = arith.constant 0 : i32
    %c0_i32_1 = arith.constant 0 : i32
    return %c0_i32, %arg0, %c0_i32_0 : i32, i32, i32
  }
  func.func @transform_3(%arg0: i32) -> (i32, i32) {
    %c0_i32 = arith.constant 0 : i32
    %c0_i32_0 = arith.constant 0 : i32
    %c0_i32_1 = arith.constant 0 : i32
    return %c0_i32, %c0_i32_0 : i32, i32
  }
  func.func @transform_4(%arg0: i32) -> (i32, i32) {
    %c0_i32 = arith.constant 0 : i32
    %c0_i32_0 = arith.constant 0 : i32
    %c0_i32_1 = arith.constant 0 : i32
    return %c0_i32, %c0_i32_0 : i32, i32
  }
  func.func @transform_5(%arg0: i32) -> (i32, i32) {
    %c0_i32 = arith.constant 0 : i32
    %c0_i32_0 = arith.constant 0 : i32
    return %arg0, %c0_i32 : i32, i32
  }
}

module attributes {stable_mosaic.version = 14 : i64} {
  func.func @_pool_head_body(%arg0: i32, %arg1: memref<2x512x128xf32, #tpu.memory_space<vmem>>, %arg2: memref<512x128xf32, #tpu.memory_space<vmem>>, %arg3: memref<2x512x128xf32, #tpu.memory_space<vmem>>, %arg4: memref<1x128xf32, #tpu.memory_space<vmem>>, %arg5: memref<512x128xi32, #tpu.memory_space<vmem>>, %arg6: memref<128x128xf32, #tpu.memory_space<vmem>>, %arg7: memref<1x128xf32, #tpu.memory_space<vmem>>, %arg8: memref<128x16xf32, #tpu.memory_space<vmem>>, %arg9: memref<1x16xf32, #tpu.memory_space<vmem>>, %arg10: memref<64x16xf32, #tpu.memory_space<vmem>>, %arg11: memref<64x16xf32, #tpu.memory_space<vmem>>, %arg12: memref<64x128xf32, #tpu.memory_space<vmem>>, %arg13: memref<64x128xf32, #tpu.memory_space<vmem>>) attributes {dimension_semantics = [#tpu.dimension_semantics<arbitrary>], iteration_bounds = array<i64: 20>, scalar_prefetch = 0 : i64, scratch_operands = 1 : i64, tpu.core_type = #tpu.core_type<tc>, window_params = [{transform_indices = @transform_0, window_bounds = array<i64: 2, 512, 128>}, {transform_indices = @transform_1, window_bounds = array<i64: 512, 128>}, {transform_indices = @transform_2, window_bounds = array<i64: 2, 512, 128>}, {pipeline_mode = #tpu.pipeline_mode<synchronous>, transform_indices = @transform_3, window_bounds = array<i64: 1, 128>}, {transform_indices = @transform_4, window_bounds = array<i64: 512, 128>}, {pipeline_mode = #tpu.pipeline_mode<synchronous>, transform_indices = @transform_5, window_bounds = array<i64: 128, 128>}, {pipeline_mode = #tpu.pipeline_mode<synchronous>, transform_indices = @transform_6, window_bounds = array<i64: 1, 128>}, {pipeline_mode = #tpu.pipeline_mode<synchronous>, transform_indices = @transform_7, window_bounds = array<i64: 128, 16>}, {pipeline_mode = #tpu.pipeline_mode<synchronous>, transform_indices = @transform_8, window_bounds = array<i64: 1, 16>}, {pipeline_mode = #tpu.pipeline_mode<synchronous>, transform_indices = @transform_9, window_bounds = array<i64: 64, 16>}, {pipeline_mode = #tpu.pipeline_mode<synchronous>, transform_indices = @transform_10, window_bounds = array<i64: 64, 16>}, {pipeline_mode = #tpu.pipeline_mode<synchronous>, transform_indices = @transform_11, window_bounds = array<i64: 64, 128>}]} {
    %eq3A = arith.constant 0 : i32
    %eq3A_0 = arith.cmpi eq, %arg0, %eq3A : i32
    %convert_element_type3A = arith.extui %eq3A_0 : i1 to i32
    %cond3A = arith.constant 0 : i32
    %cond3A_1 = arith.cmpi ne, %convert_element_type3A, %cond3A : i32
    scf.if %cond3A_1 {
      %broadcast_in_dim3A_70 = arith.constant 0xFF800000 : f32
      %broadcast_in_dim3A_71 = vector.broadcast %broadcast_in_dim3A_70 : f32 to vector<64x128xf32>
      %swap3A = arith.constant 0 : index
      %swap3A_72 = arith.constant 0 : index
      %swap3A_73 = vector.load %arg13[%swap3A, %swap3A_72] : memref<64x128xf32, #tpu.memory_space<vmem>>, vector<64x128xf32>
      tpu.vector_store %arg13[%swap3A, %swap3A_72], %broadcast_in_dim3A_71 {strides = array<i32>} : memref<64x128xf32, #tpu.memory_space<vmem>>, vector<64x128xf32>,
    } else {
    }
    %get3A = arith.constant 0 : index
    %get3A_2 = arith.constant 0 : index
    %get3A_3 = arith.constant 0 : index
    %get3A_4 = vector.load %arg3[%get3A, %get3A_2, %get3A_3] : memref<2x512x128xf32, #tpu.memory_space<vmem>>, vector<1x512x1xf32>
    %get3A_5 = vector.shape_cast %get3A_4 : vector<1x512x1xf32> to vector<512x1xf32>
    %get3A_6 = arith.constant 1 : index
    %get3A_7 = arith.constant 0 : index
    %get3A_8 = arith.constant 0 : index
    %get3A_9 = vector.load %arg3[%get3A_6, %get3A_7, %get3A_8] : memref<2x512x128xf32, #tpu.memory_space<vmem>>, vector<1x512x1xf32>
    %get3A_10 = vector.shape_cast %get3A_9 : vector<1x512x1xf32> to vector<512x1xf32>
    %add3A = arith.addf %get3A_5, %get3A_10 : vector<512x1xf32>
    %add3A_11 = arith.constant 1.000000e+00 : f32
    %add3A_12 = vector.broadcast %add3A_11 : f32 to vector<512x1xf32>
    %add3A_13 = arith.addf %add3A, %add3A_12 : vector<512x1xf32>
    %mul3A = arith.constant 512 : i32
    %mul3A_14 = arith.muli %arg0, %mul3A : i32
    %iota3A = tpu.iota {dimensions = array<i32: 0>} : vector<512x1xi32>
    %add3A_15 = vector.broadcast %mul3A_14 : i32 to vector<512x1xi32>
    %add3A_16 = arith.addi %add3A_15, %iota3A : vector<512x1xi32>
    %lt3A = arith.constant 10000 : i32
    %lt3A_17 = vector.broadcast %lt3A : i32 to vector<512x1xi32>
    %lt3A_18 = arith.cmpi slt, %add3A_16, %lt3A_17 : vector<512x1xi32>
    %rsqrt3A = math.rsqrt %add3A_13 : vector<512x1xf32>
    %jit3A = arith.constant 0.000000e+00 : f32
    %broadcast_in_dim3A = vector.broadcast %jit3A : f32 to vector<512x1xf32>
    %select_n3A = arith.select %lt3A_18, %rsqrt3A, %broadcast_in_dim3A : vector<512x1xi1>, vector<512x1xf32>
    %get3A_19 = arith.constant 0 : index
    %get3A_20 = arith.constant 0 : index
    %get3A_21 = arith.constant 0 : index
    %get3A_22 = vector.load %arg1[%get3A_19, %get3A_20, %get3A_21] : memref<2x512x128xf32, #tpu.memory_space<vmem>>, vector<1x512x128xf32>
    %get3A_23 = vector.shape_cast %get3A_22 : vector<1x512x128xf32> to vector<512x128xf32>
    %get3A_24 = arith.constant 1 : index
    %get3A_25 = arith.constant 0 : index
    %get3A_26 = arith.constant 0 : index
    %get3A_27 = vector.load %arg1[%get3A_24, %get3A_25, %get3A_26] : memref<2x512x128xf32, #tpu.memory_space<vmem>>, vector<1x512x128xf32>
    %get3A_28 = vector.shape_cast %get3A_27 : vector<1x512x128xf32> to vector<512x128xf32>
    %add3A_29 = arith.addf %get3A_23, %get3A_28 : vector<512x128xf32>
    %get3A_30 = arith.constant 0 : index
    %get3A_31 = arith.constant 0 : index
    %get3A_32 = vector.load %arg2[%get3A_30, %get3A_31] : memref<512x128xf32, #tpu.memory_space<vmem>>, vector<512x128xf32>
    %add3A_33 = arith.addf %add3A_29, %get3A_32 : vector<512x128xf32>
    %mul3A_34 = vector.broadcast %select_n3A : vector<512x1xf32> to vector<512x128xf32>
    %mul3A_35 = arith.mulf %mul3A_34, %add3A_33 : vector<512x128xf32>
    %get3A_36 = arith.constant 0 : index
    %get3A_37 = arith.constant 0 : index
    %get3A_38 = vector.load %arg4[%get3A_36, %get3A_37] : memref<1x128xf32, #tpu.memory_space<vmem>>, vector<1x128xf32>
    %add3A_39 = vector.broadcast %get3A_38 : vector<1x128xf32> to vector<512x128xf32>
    %add3A_40 = arith.addf %mul3A_35, %add3A_39 : vector<512x128xf32>
    %get3A_41 = arith.constant 0 : index
    %get3A_42 = arith.constant 0 : index
    %get3A_43 = vector.load %arg5[%get3A_41, %get3A_42] : memref<512x128xi32, #tpu.memory_space<vmem>>, vector<512x128xi32>
    %reduce_min3A = vector.shape_cast %get3A_43 : vector<512x128xi32> to vector<1x512x128xi32>
    %reduce_min3A_44 = arith.constant dense<2147483647> : vector<1xi32>
    %reduce_min3A_45 = vector.multi_reduction <minsi>, %reduce_min3A, %reduce_min3A_44 [1, 2] : vector<1x512x128xi32> to vector<1xi32>
    %reduce_min3A_46 = vector.shape_cast %reduce_min3A_45 : vector<1xi32> to vector<1x1x1xi32>
    %reduce_min3A_47 = vector.extract %reduce_min3A_46[0, 0, 0] : i32 from vector<1x1x1xi32>
    %reduce_max3A = vector.shape_cast %get3A_43 : vector<512x128xi32> to vector<1x512x128xi32>
    %reduce_max3A_48 = arith.constant dense<-2147483648> : vector<1xi32>
    %reduce_max3A_49 = vector.multi_reduction <maxsi>, %reduce_max3A, %reduce_max3A_48 [1, 2] : vector<1x512x128xi32> to vector<1xi32>
    %reduce_max3A_50 = vector.shape_cast %reduce_max3A_49 : vector<1xi32> to vector<1x1x1xi32>
    %reduce_max3A_51 = vector.extract %reduce_max3A_50[0, 0, 0] : i32 from vector<1x1x1xi32>
    %min3A = arith.constant 63 : i32
    %min3A_52 = arith.minsi %reduce_max3A_51, %min3A : i32
    %add3A_53 = arith.constant 1 : i32
    %add3A_54 = arith.addi %min3A_52, %add3A_53 : i32
    %while3A = arith.constant 0 : i32
    %while3A_55 = arith.subi %add3A_54, %reduce_min3A_47 : i32
    %while3A_56 = arith.addi %reduce_min3A_47, %while3A_55 : i32
    %while3A_57 = arith.constant 1 : i32
    %while3A_58 = arith.divsi %while3A_55, %while3A_57 : i32
    %while3A_59 = arith.muli %while3A_58, %while3A_57 : i32
    %while3A_60 = arith.addi %reduce_min3A_47, %while3A_59 : i32
    %while3A_61 = arith.constant 1 : i32
    %while3A_62 = scf.for %while3A_70 = %reduce_min3A_47 to %while3A_60 step %while3A_61 iter_args(%while3A_71 = %while3A) -> (i32)  : i32 {
      %eq3A_72 = vector.broadcast %while3A_70 : i32 to vector<512x128xi32>
      %eq3A_73 = arith.cmpi eq, %get3A_43, %eq3A_72 : vector<512x128xi32>
      %jit3A_74 = arith.constant 0xFF800000 : f32
      %broadcast_in_dim3A_75 = vector.broadcast %jit3A_74 : f32 to vector<512x128xf32>
      %select_n3A_76 = arith.select %eq3A_73, %add3A_40, %broadcast_in_dim3A_75 : vector<512x128xi1>, vector<512x128xf32>
      %reduce_max3A_77 = arith.constant dense<0xFF800000> : vector<128xf32>
      %reduce_max3A_78 = vector.multi_reduction <maximumf>, %select_n3A_76, %reduce_max3A_77 [0] : vector<512x128xf32> to vector<128xf32>
      %broadcast_in_dim3A_79 = vector.shape_cast %reduce_max3A_78 : vector<128xf32> to vector<1x128xf32>
      %get3A_80 = arith.index_cast %while3A_70 : i32 to index
      %get3A_81 = arith.constant 0 : index
      %get3A_82 = vector.load %arg13[%get3A_80, %get3A_81] : memref<64x128xf32, #tpu.memory_space<vmem>>, vector<1x128xf32>
      %max3A = arith.maximumf %get3A_82, %broadcast_in_dim3A_79 : vector<1x128xf32>
      %swap3A = arith.index_cast %while3A_70 : i32 to index
      %swap3A_83 = arith.constant 0 : index
      %swap3A_84 = vector.load %arg13[%swap3A, %swap3A_83] : memref<64x128xf32, #tpu.memory_space<vmem>>, vector<1x128xf32>
      tpu.vector_store %arg13[%swap3A, %swap3A_83], %max3A {strides = array<i32>} : memref<64x128xf32, #tpu.memory_space<vmem>>, vector<1x128xf32>,
      %while3A_85 = arith.constant 0 : i32
      scf.yield %while3A_85 : i32
    }
    %while3A_63 = arith.constant 1 : i32
    %while3A_64 = scf.for %while3A_70 = %while3A_60 to %while3A_56 step %while3A_63 iter_args(%while3A_71 = %while3A_62) -> (i32)  : i32 {
      %eq3A_72 = vector.broadcast %while3A_70 : i32 to vector<512x128xi32>
      %eq3A_73 = arith.cmpi eq, %get3A_43, %eq3A_72 : vector<512x128xi32>
      %jit3A_74 = arith.constant 0xFF800000 : f32
      %broadcast_in_dim3A_75 = vector.broadcast %jit3A_74 : f32 to vector<512x128xf32>
      %select_n3A_76 = arith.select %eq3A_73, %add3A_40, %broadcast_in_dim3A_75 : vector<512x128xi1>, vector<512x128xf32>
      %reduce_max3A_77 = arith.constant dense<0xFF800000> : vector<128xf32>
      %reduce_max3A_78 = vector.multi_reduction <maximumf>, %select_n3A_76, %reduce_max3A_77 [0] : vector<512x128xf32> to vector<128xf32>
      %broadcast_in_dim3A_79 = vector.shape_cast %reduce_max3A_78 : vector<128xf32> to vector<1x128xf32>
      %get3A_80 = arith.index_cast %while3A_70 : i32 to index
      %get3A_81 = arith.constant 0 : index
      %get3A_82 = vector.load %arg13[%get3A_80, %get3A_81] : memref<64x128xf32, #tpu.memory_space<vmem>>, vector<1x128xf32>
      %max3A = arith.maximumf %get3A_82, %broadcast_in_dim3A_79 : vector<1x128xf32>
      %swap3A = arith.index_cast %while3A_70 : i32 to index
      %swap3A_83 = arith.constant 0 : index
      %swap3A_84 = vector.load %arg13[%swap3A, %swap3A_83] : memref<64x128xf32, #tpu.memory_space<vmem>>, vector<1x128xf32>
      tpu.vector_store %arg13[%swap3A, %swap3A_83], %max3A {strides = array<i32>} : memref<64x128xf32, #tpu.memory_space<vmem>>, vector<1x128xf32>,
      %while3A_85 = arith.constant 0 : i32
      scf.yield %while3A_85 : i32
    }
    %eq3A_65 = arith.constant 19 : i32
    %eq3A_66 = arith.cmpi eq, %arg0, %eq3A_65 : i32
    %convert_element_type3A_67 = arith.extui %eq3A_66 : i1 to i32
    %cond3A_68 = arith.constant 0 : i32
    %cond3A_69 = arith.cmpi ne, %convert_element_type3A_67, %cond3A_68 : i32
    scf.if %cond3A_69 {
      %get3A_70 = arith.constant 0 : index
      %get3A_71 = arith.constant 0 : index
      %get3A_72 = vector.load %arg13[%get3A_70, %get3A_71] : memref<64x128xf32, #tpu.memory_space<vmem>>, vector<64x128xf32>
      %eq3A_73 = arith.constant 0xFF800000 : f32
      %eq3A_74 = vector.broadcast %eq3A_73 : f32 to vector<64x128xf32>
      %eq3A_75 = arith.cmpf oeq, %get3A_72, %eq3A_74 : vector<64x128xf32>
      %jit3A_76 = arith.constant 0.000000e+00 : f32
      %broadcast_in_dim3A_77 = vector.broadcast %jit3A_76 : f32 to vector<64x128xf32>
      %select_n3A_78 = arith.select %eq3A_75, %broadcast_in_dim3A_77, %get3A_72 : vector<64x128xi1>, vector<64x128xf32>
      %get3A_79 = arith.constant 0 : index
      %get3A_80 = arith.constant 0 : index
      %get3A_81 = vector.load %arg6[%get3A_79, %get3A_80] : memref<128x128xf32, #tpu.memory_space<vmem>>, vector<128x128xf32>
      %dot_general3A = arith.constant dense<0.000000e+00> : vector<64x128xf32>
      %dot_general3A_82 = tpu.matmul %select_n3A_78, %get3A_81, %dot_general3A {dimension_numbers = #tpu.dot_dimension_numbers<[1], [0], [0], [1], [0, 0, 1, 1], [], []>, transpose_lhs_hint = false} : vector<64x128xf32>, vector<128x128xf32>, vector<64x128xf32> -> vector<64x128xf32>
      %get3A_83 = arith.constant 0 : index
      %get3A_84 = arith.constant 0 : index
      %get3A_85 = vector.load %arg7[%get3A_83, %get3A_84] : memref<1x128xf32, #tpu.memory_space<vmem>>, vector<1x128xf32>
      %add3A_86 = vector.broadcast %get3A_85 : vector<1x128xf32> to vector<64x128xf32>
      %add3A_87 = arith.addf %dot_general3A_82, %add3A_86 : vector<64x128xf32>
      %gt3A = arith.constant 0.000000e+00 : f32
      %gt3A_88 = vector.broadcast %gt3A : f32 to vector<64x128xf32>
      %gt3A_89 = arith.cmpf ogt, %add3A_87, %gt3A_88 : vector<64x128xf32>
      %mul3A_90 = arith.constant 0.00999999977 : f32
      %mul3A_91 = vector.broadcast %mul3A_90 : f32 to vector<64x128xf32>
      %mul3A_92 = arith.mulf %mul3A_91, %add3A_87 : vector<64x128xf32>
      %select_n3A_93 = arith.select %gt3A_89, %add3A_87, %mul3A_92 : vector<64x128xi1>, vector<64x128xf32>
      %get3A_94 = arith.constant 0 : index
      %get3A_95 = arith.constant 0 : index
      %get3A_96 = vector.load %arg8[%get3A_94, %get3A_95] : memref<128x16xf32, #tpu.memory_space<vmem>>, vector<128x16xf32>
      %dot_general3A_97 = arith.constant dense<0.000000e+00> : vector<64x16xf32>
      %dot_general3A_98 = tpu.matmul %select_n3A_93, %get3A_96, %dot_general3A_97 {dimension_numbers = #tpu.dot_dimension_numbers<[1], [0], [0], [1], [0, 0, 1, 1], [], []>, transpose_lhs_hint = false} : vector<64x128xf32>, vector<128x16xf32>, vector<64x16xf32> -> vector<64x16xf32>
      %get3A_99 = arith.constant 0 : index
      %get3A_100 = arith.constant 0 : index
      %get3A_101 = vector.load %arg9[%get3A_99, %get3A_100] : memref<1x16xf32, #tpu.memory_space<vmem>>, vector<1x16xf32>
      %add3A_102 = vector.broadcast %get3A_101 : vector<1x16xf32> to vector<64x16xf32>
      %add3A_103 = arith.addf %dot_general3A_98, %add3A_102 : vector<64x16xf32>
      %reduce_max3A_104 = arith.constant dense<0xFF800000> : vector<64xf32>
      %reduce_max3A_105 = vector.multi_reduction <maximumf>, %add3A_103, %reduce_max3A_104 [1] : vector<64x16xf32> to vector<64xf32>
      %broadcast_in_dim3A_106 = vector.shape_cast %reduce_max3A_105 : vector<64xf32> to vector<64x1xf32>
      %sub3A = vector.broadcast %broadcast_in_dim3A_106 : vector<64x1xf32> to vector<64x16xf32>
      %sub3A_107 = arith.subf %add3A_103, %sub3A : vector<64x16xf32>
      %exp3A = math.exp %sub3A_107 : vector<64x16xf32>
      %reduce_sum3A = arith.constant dense<0.000000e+00> : vector<64xf32>
      %reduce_sum3A_108 = vector.multi_reduction <add>, %exp3A, %reduce_sum3A [1] : vector<64x16xf32> to vector<64xf32>
      %broadcast_in_dim3A_109 = vector.shape_cast %reduce_sum3A_108 : vector<64xf32> to vector<64x1xf32>
      %div3A = vector.broadcast %broadcast_in_dim3A_109 : vector<64x1xf32> to vector<64x16xf32>
      %div3A_110 = arith.divf %exp3A, %div3A : vector<64x16xf32>
      %swap3A = arith.constant 0 : index
      %swap3A_111 = arith.constant 0 : index
      %swap3A_112 = vector.load %arg10[%swap3A, %swap3A_111] : memref<64x16xf32, #tpu.memory_space<vmem>>, vector<64x16xf32>
      tpu.vector_store %arg10[%swap3A, %swap3A_111], %add3A_103 {strides = array<i32>} : memref<64x16xf32, #tpu.memory_space<vmem>>, vector<64x16xf32>,
      %swap3A_113 = arith.constant 0 : index
      %swap3A_114 = arith.constant 0 : index
      %swap3A_115 = vector.load %arg11[%swap3A_113, %swap3A_114] : memref<64x16xf32, #tpu.memory_space<vmem>>, vector<64x16xf32>
      tpu.vector_store %arg11[%swap3A_113, %swap3A_114], %div3A_110 {strides = array<i32>} : memref<64x16xf32, #tpu.memory_space<vmem>>, vector<64x16xf32>,
      %swap3A_116 = arith.constant 0 : index
      %swap3A_117 = arith.constant 0 : index
      %swap3A_118 = vector.load %arg12[%swap3A_116, %swap3A_117] : memref<64x128xf32, #tpu.memory_space<vmem>>, vector<64x128xf32>
      tpu.vector_store %arg12[%swap3A_116, %swap3A_117], %select_n3A_78 {strides = array<i32>} : memref<64x128xf32, #tpu.memory_space<vmem>>, vector<64x128xf32>,
    } else {
    }
    return
  }
  func.func @transform_0(%arg0: i32) -> (i32, i32, i32) {
    %c0_i32 = arith.constant 0 : i32
    %c0_i32_0 = arith.constant 0 : i32
    %c0_i32_1 = arith.constant 0 : i32
    return %c0_i32, %arg0, %c0_i32_0 : i32, i32, i32
  }
  func.func @transform_1(%arg0: i32) -> (i32, i32) {
    %c0_i32 = arith.constant 0 : i32
    %c0_i32_0 = arith.constant 0 : i32
    return %arg0, %c0_i32 : i32, i32
  }
  func.func @transform_2(%arg0: i32) -> (i32, i32, i32) {
    %c0_i32 = arith.constant 0 : i32
    %c0_i32_0 = arith.constant 0 : i32
    %c0_i32_1 = arith.constant 0 : i32
    return %c0_i32, %arg0, %c0_i32_0 : i32, i32, i32
  }
  func.func @transform_3(%arg0: i32) -> (i32, i32) {
    %c0_i32 = arith.constant 0 : i32
    %c0_i32_0 = arith.constant 0 : i32
    %c0_i32_1 = arith.constant 0 : i32
    return %c0_i32, %c0_i32_0 : i32, i32
  }
  func.func @transform_4(%arg0: i32) -> (i32, i32) {
    %c0_i32 = arith.constant 0 : i32
    %c0_i32_0 = arith.constant 0 : i32
    return %arg0, %c0_i32 : i32, i32
  }
  func.func @transform_5(%arg0: i32) -> (i32, i32) {
    %c0_i32 = arith.constant 0 : i32
    %c0_i32_0 = arith.constant 0 : i32
    %c0_i32_1 = arith.constant 0 : i32
    return %c0_i32, %c0_i32_0 : i32, i32
  }
  func.func @transform_6(%arg0: i32) -> (i32, i32) {
    %c0_i32 = arith.constant 0 : i32
    %c0_i32_0 = arith.constant 0 : i32
    %c0_i32_1 = arith.constant 0 : i32
    return %c0_i32, %c0_i32_0 : i32, i32
  }
  func.func @transform_7(%arg0: i32) -> (i32, i32) {
    %c0_i32 = arith.constant 0 : i32
    %c0_i32_0 = arith.constant 0 : i32
    %c0_i32_1 = arith.constant 0 : i32
    return %c0_i32, %c0_i32_0 : i32, i32
  }
  func.func @transform_8(%arg0: i32) -> (i32, i32) {
    %c0_i32 = arith.constant 0 : i32
    %c0_i32_0 = arith.constant 0 : i32
    %c0_i32_1 = arith.constant 0 : i32
    return %c0_i32, %c0_i32_0 : i32, i32
  }
  func.func @transform_9(%arg0: i32) -> (i32, i32) {
    %c0_i32 = arith.constant 0 : i32
    %c0_i32_0 = arith.constant 0 : i32
    %c0_i32_1 = arith.constant 0 : i32
    return %c0_i32, %c0_i32_0 : i32, i32
  }
  func.func @transform_10(%arg0: i32) -> (i32, i32) {
    %c0_i32 = arith.constant 0 : i32
    %c0_i32_0 = arith.constant 0 : i32
    %c0_i32_1 = arith.constant 0 : i32
    return %c0_i32, %c0_i32_0 : i32, i32
  }
  func.func @transform_11(%arg0: i32) -> (i32, i32) {
    %c0_i32 = arith.constant 0 : i32
    %c0_i32_0 = arith.constant 0 : i32
    %c0_i32_1 = arith.constant 0 : i32
    return %c0_i32, %c0_i32_0 : i32, i32
  }
}

</mosaic_0001>

<sc_bundles>
// kernel: kernel.11.cloned.1.call-start
scs
__scs_entry_jumppad:
0x0: {  	(pc) =	sbr.rel $0x88, $3  }
0x1: {  	(tag) =	ssettag $0x0;
	lr =	simm.s32 $0x1  }
0x2: {  	[smem:$0x3F96] =	sst lr;
	_ =	strace $0xD0000000  }
0x3: {  	_ = 	snop  }
0x4: {  	_ = 	snop  }
0x5: {  	_ = 	snop  }
0x6: {  	_ = 	snop  }
0x7: {  	_ = 	snop  }
__scs_overlays_trampoline_lowered:
0x8: {  	[smem:$0x3FA5] =	sst s0  }
0x9: {  	[smem:$0x3FA6] =	sst s1  }
0xa: {  	[smem:$0x3FA7] =	sst s2  }
0xb: {  	[smem:$0x3FA8] =	sst s3  }
0xc: {  	[smem:$0x3FA9] =	sst s4  }
0xd: {  	[smem:$0x3FAA] =	sst s5  }
0xe: {  	[smem:$0x3FAB] =	sst s6  }
0xf: {  	[smem:$0x3FAC] =	sst s7  }
0x10: {  	[smem:$0x3FAD] =	sst s8  }
0x11: {  	[smem:$0x3FAE] =	sst s9;
	s0 =	simm.s32 @!p0 $0x0  }
0x12: {  	s1 =	sld [smem:$0x3F94];
	s0 =	simm.s32 @p0 $0x1  }
0x13: {  	[smem:$0x3FAF] =	sst s0;
	s0 =	simm.s32 @!p1 $0x0  }
0x14: {  	s2 =	sld [smem:$0x3F93];
	s0 =	simm.s32 @p1 $0x1  }
0x15: {  	[smem:$0x3FB0] =	sst s0;
	s0 =	simm.s32 @!p2 $0x0  }
0x16: {  	s3 =	sld [smem:$0x3FDB];
	s0 =	simm.s32 @p2 $0x1  }
0x17: {  	s4 =	simm.s32 $0x1BF5;
	[smem:$0x3FB2] =	sst s0  }
0x18: {  	s0 =	sld [smem:$0x3F95];
	_ =	swait.ge [sflag:s4], $0x0  }
0x19: {  	s7 =	sld [smem:$0x3F96]  }
0x1a: {  	s8 =	sadd.s32 $0xFFFFE003, lr  }
0x1b: {  	s9 =	sadd.s32 $0xFFFFFEF7, lr;
	s5 =	simm.s32 $0xFFFFFFFF;
	p2 =	slt.u32 s8, $0xFFFFF086  }
0x1c: {  	p1 =	slt.u32 s9, $0xF7A;
	s5 =	simm.s32 @!p2 $0x0  }
0x1d: {  	s5 =	simm.s32 @p1 $0x1;
	p0 =	seq.s32 s7, s2  }
0x1e: {  	s7 =	smul.u32 @!p0 $0xF7A, s2;
	p2 =	seq.s32 @!p0 s5, $0x0  }
0x1f: {  	s9 =	smul.u32 $0xF7A, s1;
	s8 =	simm.s32 @!p0 $0x1BF5;
	p2 =	por !p2, p0  }
0x20: {  	[sflag:s8] =	ssyncset.s32 @!p0 $0xFFFFF086;
	s6 =	sadd.s32 @!p0 s3, s7;
	s7 =	simm.s32 @!p0 $0x108  }
0x21: {  	s3 =	sadd.s32 s3, s9;
	s6 =	sadd.s32 @!p0 $0x88, s6;
	s7 =	simm.s32 @p2 $0x1082  }
0x22: {  	[simem:s7], [sflag:s8] =	dma.local @!p0 [hbm:s6], $0xF7A  }
0x23: {  	s9 =	sor.u32 $0xD0000000, s2;
	s6 =	simm.s32 $0x108;
	_ =	swait.ge @!p0 [sflag:s8], $0x0  }
0x24: {  	s3 =	sadd.s32 $0x88, s3;
	s6 =	simm.s32 @!p1 $0x1082;
	[sflag:s4] =	ssyncset.s32 $0xFFFFF086  }
0x25: {  	[simem:s6], [sflag:s4] =	dma.local [hbm:s3], $0xF7A  }
0x26: {  	[smem:$0x3F96] =	sst s1;
	(tag) =	ssettag s2;
	_ =	strace s9  }
0x27: {  	s1 =	sld [smem:$0x3FA6]  }
0x28: {  	s2 =	sld [smem:$0x3FA7]  }
0x29: {  	s4 =	sld [smem:$0x3FA9]  }
0x2a: {  	p0 =	seq.s32 s5, $0x0;
	s5 =	sld [smem:$0x3FAA]  }
0x2b: {  	s6 =	sld [smem:$0x3FAB]  }
0x2c: {  	s7 =	sld [smem:$0x3FAC]  }
0x2d: {  	s3 =	simm.s32 $0x108;
	s8 =	sld [smem:$0x3FAD]  }
0x2e: {  	s3 =	simm.s32 @!p0 $0x1082;
	s9 =	sld [smem:$0x3FAE]  }
0x2f: {  	lr =	sadd.s32 s0, s3;
	s0 =	sld [smem:$0x3FA5]  }
0x30: {  	s3 =	sld [smem:$0x3FA8]  }
0x31: {  	[smem:$0x3FB1] =	sst s10  }
0x32: {  	s10 =	sld [smem:$0x3FAF];
	_ =	sdelay $0x3  }
0x33: {  	p0 =	seq.s32 s10, $0x1;
	s10 =	sld [smem:$0x3FB1];
	_ =	sdelay $0x3  }
0x34: {  	[smem:$0x3FB1] =	sst s10  }
0x35: {  	s10 =	sld [smem:$0x3FB0];
	_ =	sdelay $0x3  }
0x36: {  	p1 =	seq.s32 s10, $0x1;
	s10 =	sld [smem:$0x3FB1];
	_ =	sdelay $0x3  }
0x37: {  	[smem:$0x3FB1] =	sst s10  }
0x38: {  	s10 =	sld [smem:$0x3FB2]  }
0x39: {  	_ = 	snop;
	(pc) =	sbr.ind lr, $3  }
0x3a: {  	_ = 	snop  }
0x3b: {  	_ = 	snop  }
0x3c: {  	p2 =	seq.s32 s10, $0x1;
	s10 =	sld [smem:$0x3FB1]  }
0x3d: {  	_ =	shalt  }
0x3e: {  	_ =	shalt  }
0x3f: {  	_ =	shalt  }
0x40: {  	_ =	shalt  }
0x41: {  	_ =	shalt  }
0x42: {  	_ =	shalt  }
0x43: {  	_ =	shalt  }
0x44: {  	_ =	shalt  }
0x45: {  	_ =	shalt  }
0x46: {  	_ =	shalt  }
0x47: {  	_ =	shalt  }
0x48: {  	_ =	shalt  }
0x49: {  	_ =	shalt  }
0x4a: {  	_ =	shalt  }
0x4b: {  	_ =	shalt  }
0x4c: {  	_ =	shalt  }
0x4d: {  	_ =	shalt  }
0x4e: {  	_ =	shalt  }
0x4f: {  	_ =	shalt  }
0x50: {  	_ =	shalt  }
0x51: {  	_ =	shalt  }
0x52: {  	_ =	shalt  }
0x53: {  	_ =	shalt  }
0x54: {  	_ =	shalt  }
0x55: {  	_ =	shalt  }
0x56: {  	_ =	shalt  }
0x57: {  	_ =	shalt  }
0x58: {  	_ =	shalt  }
0x59: {  	_ =	shalt  }
0x5a: {  	_ =	shalt  }
0x5b: {  	_ =	shalt  }
0x5c: {  	_ =	shalt  }
0x5d: {  	_ =	shalt  }
0x5e: {  	_ =	shalt  }
0x5f: {  	_ =	shalt  }
0x60: {  	_ =	shalt  }
0x61: {  	_ =	shalt  }
0x62: {  	_ =	shalt  }
0x63: {  	_ =	shalt  }
0x64: {  	_ =	shalt  }
0x65: {  	_ =	shalt  }
0x66: {  	_ =	shalt  }
0x67: {  	_ =	shalt  }
0x68: {  	_ =	shalt  }
0x69: {  	_ =	shalt  }
0x6a: {  	_ =	shalt  }
0x6b: {  	_ =	shalt  }
0x6c: {  	_ =	shalt  }
0x6d: {  	_ =	shalt  }
0x6e: {  	_ =	shalt  }
0x6f: {  	_ =	shalt  }
0x70: {  	_ =	shalt  }
0x71: {  	_ =	shalt  }
0x72: {  	_ =	shalt  }
0x73: {  	_ =	shalt  }
0x74: {  	_ =	shalt  }
0x75: {  	_ =	shalt  }
0x76: {  	_ =	shalt  }
0x77: {  	_ =	shalt  }
0x78: {  	_ =	shalt  }
0x79: {  	_ =	shalt  }
0x7a: {  	_ =	shalt  }
0x7b: {  	_ =	shalt  }
0x7c: {  	_ =	shalt  }
0x7d: {  	_ =	shalt  }
0x7e: {  	_ =	shalt  }
0x7f: {  	_ =	shalt  }
0x80: {  	_ =	shalt  }
0x81: {  	_ =	shalt  }
0x82: {  	_ =	shalt  }
0x83: {  	_ =	shalt  }
0x84: {  	_ =	shalt  }
0x85: {  	_ =	shalt  }
0x86: {  	_ =	shalt  }
0x87: {  	_ =	shalt  }
.Lfunc_end0:
.L_simem_size_0:
called_computation.1_lowered:
.L_overlay_start_0:
0x88: {  	s2 =	sld [smem:$0x3FD9]  }
0x89: {  	s3 =	sld [smem:$0x3FFE];
	_ =	sdelay $0x1  }
0x8a: {  	s1 =	srdreg.scid  }
0x8b: {  	s0 =	sand.u32 $0x1, s1  }
0x8c: {  	s16 =	sshll.u32 s0, $0xA;
	s2 =	sadd.s32 s3, s2  }
0x8d: {  	s2 =	sadd.s32 s2, s16  }
0x8e: {  	[smem:$0x3FBD] =	sst s2  }
0x8f: {  	_ = 	snop  }
0x90: {  	(tm) =	ssettm $0x1  }
0x91: {  	s17 =	sld [smem:$0x3FFB];
	_ =	sdelay $0x3  }
0x92: {  	_ =	strace s17  }
0x93: {  	s2 =	sld [smem:$0x3FFC];
	_ =	sdelay $0x3  }
0x94: {  	_ =	strace s2  }
0x95: {  	s2 =	sld [smem:$0x3FFD];
	_ =	sdelay $0x3  }
0x96: {  	_ =	strace s2  }
0x97: {  	_ =	strace $0x8FFFFFFF  }
0x98: {  	s18 =	sld [smem:$0x3FDB];
	_ =	sdelay $0x1  }
0x99: {  	s19 =	simm.s32 $_scs_section_size  }
0x9a: {  	s4 =	simm.s32 $_size__tile_overlayer_lowered;
	s5 =	simm.s32 $_tile_overlayer_lowered  }
0x9b: {  	s22 =	simm.s32 $0x1BFF;
	s21 =	sshll.u32 s5, $0x1;
	s2 =	sadd.s32 s19, s18  }
0x9c: {  	s6 =	simm.s32 $0x0;
	s20 =	sshll.u32 s4, $0x1;
	s4 =	sadd.s32 s21, s2  }
0x9d: {  	[timem:s6], [sflag:s22] =	dma.local [hbm:s4], s20  }
0x9e: {  	_ =	swait.ge [sflag:s22], s20  }
0x9f: {  	s3 =	ssub.s32 $0x0, s20;
	[sflag:s22] =	ssyncset.done $0x0  }
0xa0: {  	[sflag:s22] =	ssyncadd.s32 s3;
	_ =	sdelay $0x1  }
0xa1: {  	s23 =	simm.s32 $0x1B8B  }
0xa2: {  	_ =	swait.ge [sflag:s23], $0x1  }
0xa3: {  	[sflag:s23] =	ssyncset.done $0x0  }
0xa4: {  	s25 =	simm.s32 $0x1B8E;
	s24 =	sld [smem:$0x3FFE];
	[sflag:s23] =	ssyncadd.s32 $0xFFFFFFFF  }
0xa5: {  	s26 =	simm.s32 $execute0_lowered;
	[smem:$0x3FD2] =	sst s25  }
0xa6: {  	s4 =	sshll.u32 s26, $0x1;
	_ =	strace $0x80000049;
	[dreg:$0x1] =	wrdreg $0xFFFFFFFF  }
0xa7: {  	s28 =	simm.s32 $_size_execute0_lowered;
	s2 =	sadd.s32 s2, s4;
	[dreg:$0x0] =	wrdreg $0x0  }
0xa8: {  	s4 =	sshll.u32 s28, $0x1;
	[dreg:$0x2] =	wrdreg s2  }
0xa9: {  	[dreg:$0x3] =	wrdreg s4  }
0xaa: {  	[dreg:$0x4] =	wrdreg $0xC0  }
0xab: {  	_ =	task [dreg:s6], $0x5FFFF  }
0xac: {  	[dreg:$0x1] =	wrdreg $0xFFFFFFFF  }
0xad: {  	[dreg:$0x0] =	wrdreg $0x60  }
0xae: {  	[dreg:$0x2] =	wrdreg s24  }
0xaf: {  	[dreg:$0x3] =	wrdreg $0x82000  }
0xb0: {  	[dreg:$0x4] =	wrdreg $0x9  }
0xb1: {  	_ =	task.clear_ibuf [dreg:s6], $0x5FFFF;
	_ =	strace $0x90000049  }
0xb2: {  	s29 =	simm.s32 $0x9;
	_ =	strace $0x8000004B  }
0xb3: {  	_ =	swait.ge [sflag:s29], $0x1  }
0xb4: {  	[sflag:s29] =	ssyncadd.s32 $0xFFFFFFFF  }
0xb5: {  	_ =	strace $0x9000004B  }
0xb6: {  	_ =	sfence  }
0xb7: {  	s30 =	sld [smem:$0x0];
	_ =	sdelay $0x2  }
0xb8: {  	s31 =	sshll.u32 s1, $0xD;
	s1 =	sshrl.u32 s1, $0x2  }
0xb9: {  	s3 =	sand.u32 $0x4000, s31;
	s1 =	sadd.s32 s1, s30  }
0xba: {  	s0 =	sor.u32 s3, s0;
	s1 =	sshll.u32 s1, $0x11  }
0xbb: {  	s0 =	sor.u32 s1, s0  }
0xbc: {  	s0 =	sadd.s32 $0x8F2B, s0  }
0xbd: {  	[sflag:s0] =	ssyncadd.remote.s32 $0x1  }
0xbe: {  	_ =	sfence.sel $0xFFFF  }
0xbf: {  	[dreg:$0x0] =	wrdreg $0xFFFFFFFF;
	(pc) =	sbr.abs _section_cstart, $3  }
0xc0: {  	[dreg:$0x1] =	wrdreg $0xFFFFFFFF  }
0xc1: {  	_ =	task.clear_ibuf [dreg:s6], $0x2FFFF;
	_ =	strace $0x9FFFFFFF  }
0xc2: {  	(tm) =	ssettm $0x7FFFFFFF  }
0xc3: {  	_ =	shalt  }
tec
execute0_lowered:
.L_overlay_start_1:
0x0: {  	(tag) =	ssettag $0x1  }
0x1: {  	s0 =	rddreg [dreg:$0x0]  }
0x2: {  	s1 =	rddreg [dreg:$0x1]  }
0x3: {  	s2 =	simm.s32 $0x0;
	s3 =	srdreg.scid;
	s13 =	stileid.u32  }
0x4: {  	[smem:$0x7FF] =	sst s2;
	s4 =	sadd.s32 $0x67A00, s0;
	s5 =	sadd.s32 $0x5D800, s0  }
0x5: {  	s3 =	sand.u32 $0x1, s3;
	s6 =	sadd.s32 $0x2600, s0;
	s9 =	smul.u32 $0x50000, s13  }
0x6: {  	s7 =	sadd.s32 $0xC800, s0;
	s11 =	smul.u32 $0x5000, s13;
	s0 =	sadd.s32 $0xB7A00, s0  }
0x7: {  	s12 =	smul.u32 $0x280, s13;
	s13 =	sshll.u32 s13, $0x6;
	_ =	strace $0x8000004A  }
0x8: {  	s8 =	ssub.s32 $0x2, s3;
	s17 =	smul.u32 $0x3C00, s3;
	p0 =	seq.s32 s3, $0x0  }
0x9: {  	s3 =	smul.u32 $0x2800, s3;
	s10 =	sshrl.u32 s8, $0x1;
	s9 =	sshrl.u32 s9, $0x2  }
0xa: {  	s21 =	sadd.s32 $0x80, s12;
	s23 =	sadd.s32 $0x100, s12;
	s25 =	sadd.s32 $0x180, s12  }
0xb: {  	s8 =	ssub.s32 s8, s10;
	s19 =	sadd.s32 s9, s1;
	s9 =	sor.u32 $0x1C03, s13  }
0xc: {  	s10 =	sadd.s32 s17, s11;
	s14 =	sadd.s32 s3, s12;
	s15 =	sadd.s32 s3, s21  }
0xd: {  	s24 =	sadd.s32 s3, s23;
	s12 =	sadd.s32 $0x200, s12;
	s17 =	sadd.s32 s3, s25  }
0xe: {  	s11 =	sshrl.u32 s10, $0x3;
	s14 =	sshll.u32 s14, $0x4;
	s15 =	sshll.u32 s15, $0x4  }
0xf: {  	s3 =	sadd.s32 s3, s12;
	s26 =	sshll.u32 s17, $0x4;
	s13 =	smax.u32 s8, $0x1  }
0x10: {  	s17 =	sor.u32 $0x180, s10;
	s10 =	sor.u32 $0x100, s10;
	s18 =	sadd.s32 s5, s11  }
0x11: {  	s20 =	sadd.s32 s6, s11;
	s11 =	sor.u32 $0x10, s11;
	[dreg:$0xc] =	wrdreg s13  }
0x12: {  	s14 =	sadd.s32 s0, s14;
	s22 =	sadd.s32 s0, s15;
	[dreg:$0x3] =	wrdreg s18  }
0x13: {  	s15 =	sshll.u32 s24, $0x4;
	s3 =	sshll.u32 s3, $0x4;
	[dreg:$0x4] =	wrdreg s20  }
0x14: {  	s24 =	sadd.s32 $0x8000, s19;
	s13 =	simm.s32 $0x4200;
	[dreg:$0x6] =	wrdreg s14  }
0x15: {  	s16 =	sadd.s32 s5, s11;
	[dreg:$0x7] =	wrdreg s22;
	s15 =	sadd.s32 s0, s15  }
0x16: {  	s18 =	simm.s32 $0x3C;
	s14 =	sshll.u32 s23, $0x7;
	s20 =	sadd.s32 $0x4000, s19  }
0x17: {  	s22 =	sshrl.u32 s10, $0x3;
	s10 =	sshrl.u32 s24, $0x3;
	[dreg:$0x5] =	wrdreg s16  }
0x18: {  	s24 =	smov.u32 s19;
	[dreg:$0x8] =	wrdreg s15;
	s15 =	sadd.s32 s0, s26  }
0x19: {  	s0 =	sadd.s32 s0, s3;
	s3 =	sadd.s32 s6, s11;
	s18 =	simm.s32 @!p0 $0x14  }
0x1a: {  	s11 =	sshll.u32 s21, $0x7;
	s16 =	sshll.u32 s12, $0x7;
	[dreg:$0xe] =	wrdreg s10  }
0x1b: {  	s21 =	sshrl.u32 s17, $0x3;
	s23 =	sshrl.u32 s20, $0x3;
	[dreg:$0x9] =	wrdreg s15  }
0x1c: {  	s26 =	sadd.s32 $0x10000, s19;
	s10 =	simm.s32 $0x80;
	[dreg:$0xa] =	wrdreg s0  }
0x1d: {  	s12 =	simm.s32 $0x180;
	[dreg:$0xb] =	wrdreg s3;
	s0 =	sadd.s32 s11, s1  }
0x1e: {  	s3 =	sadd.s32 s14, s1;
	s15 =	sshll.u32 s25, $0x7;
	s11 =	sadd.s32 s16, s1  }
0x1f: {  	[dreg:$0xd] =	wrdreg s23;
	s25 =	sadd.s32 $0xC000, s19;
	s26 =	sshrl.u32 s26, $0x3  }
0x20: {  	s14 =	simm.s32 $0x1;
	s16 =	simm.s32 $0x0;
	s8 =	sadd.s32 s15, s1  }
0x21: {  	s25 =	sshrl.u32 s25, $0x3;
	s28 =	sshrl.u32 s0, $0x3;
	s29 =	sshrl.u32 s3, $0x3  }
0x22: {  	s31 =	sshrl.u32 s11, $0x3;
	s0 =	simm.s32 $0x3;
	s3 =	simm.s32 $0x100  }
0x23: {  	s11 =	simm.s32 $0x200;
	s15 =	simm.s32 $0x2;
	s30 =	sshrl.u32 s8, $0x3  }
.LBB2_1:
0x24: {  	s17 =	sshrl.u32 s24, $0x3  }
0x25: {  	[spmem:s17], [sflag:s9] =	dma.local [hbm:s7], $0x800  }
0x26: {  	_ =	swait.ge [sflag:s0], $0x800  }
0x27: {  	[sflag:s0] =	ssyncset.done $0x0  }
0x28: {  	s8 =	rddreg [dreg:$0xd];
	[sflag:s0] =	ssyncadd.s32 $0xFFFFF800  }
0x29: {  	[spmem:s8], [sflag:s9] =	dma.local [hbm:s7], $0x800  }
0x2a: {  	_ =	swait.ge [sflag:s0], $0x800  }
0x2b: {  	[sflag:s0] =	ssyncset.done $0x0  }
0x2c: {  	s19 =	rddreg [dreg:$0xe];
	[sflag:s0] =	ssyncadd.s32 $0xFFFFF800  }
0x2d: {  	[spmem:s19], [sflag:s9] =	dma.local [hbm:s7], $0x800  }
0x2e: {  	_ =	swait.ge [sflag:s0], $0x800  }
0x2f: {  	[sflag:s0] =	ssyncset.done $0x0  }
0x30: {  	[sflag:s0] =	ssyncadd.s32 $0xFFFFF800  }
0x31: {  	[spmem:s25], [sflag:s9] =	dma.local [hbm:s7], $0x800  }
0x32: {  	_ =	swait.ge [sflag:s0], $0x800  }
0x33: {  	[sflag:s0] =	ssyncset.done $0x0  }
0x34: {  	[sflag:s0] =	ssyncadd.s32 $0xFFFFF800  }
0x35: {  	[spmem:s26], [sflag:s9] =	dma.local [hbm:s7], $0x800  }
0x36: {  	_ =	swait.ge [sflag:s0], $0x800  }
0x37: {  	[sflag:s0] =	ssyncset.done $0x0  }
0x38: {  	[sflag:s0] =	ssyncadd.s32 $0xFFFFF800  }
0x39: {  	[bflag:$0x0] =	sbarrier.arrive $0xFFFF  }
0x3a: {  	s20 =	rddreg [dreg:$0x3]  }
0x3b: {  	[tilespmem:s2], [sflag:$0x3] =	stream.linear.gather [hbm4b:s20+s2], $0x80, $0x38;
	[tilespmem:$0x1C200] =	vst v63  }
0x3c: {  	_ =	swait.ge [sflag:s0], $0x80  }
0x3d: {  	[sflag:s0] =	ssyncset.done $0x0  }
0x3e: {  	s23 =	rddreg [dreg:$0x4];
	[sflag:s0] =	ssyncadd.s32 $0xFFFFFF80  }
0x3f: {  	[tilespmem:s3], [sflag:$0x3] =	stream.linear.gather [hbm4b:s23+s2], $0x80, $0x38;
	[tilespmem:$0x1C200] =	vst v63  }
0x40: {  	_ =	swait.ge [sflag:s0], $0x80  }
0x41: {  	[sflag:s0] =	ssyncset.done $0x0  }
0x42: {  	[sflag:s0] =	ssyncadd.s32 $0xFFFFFF80  }
0x43: {  	[tilespmem:s11], [sflag:$0x1] =	stream.indirect.gather [hbm4b:s4+s10], $0x80, s2, s10, $0xb8;
	[tilespmem:$0x1C200] =	vst v63  }
0x44: {  	s19 =	rddreg [dreg:$0x5]  }
0x45: {  	[tilespmem:s10], [sflag:$0x3] =	stream.linear.gather [hbm4b:s19+s2], $0x80, $0x38;
	[tilespmem:$0x1C200] =	vst v63  }
0x46: {  	_ =	swait.ge [sflag:s0], $0x80  }
0x47: {  	[sflag:s0] =	ssyncset.done $0x0  }
0x48: {  	s20 =	rddreg [dreg:$0xb];
	[sflag:s0] =	ssyncadd.s32 $0xFFFFFF80  }
0x49: {  	[tilespmem:s12], [sflag:$0x3] =	stream.linear.gather [hbm4b:s20+s2], $0x80, $0x38;
	[tilespmem:$0x1C200] =	vst v63  }
0x4a: {  	_ =	swait.ge [sflag:s0], $0x80  }
0x4b: {  	[sflag:s0] =	ssyncset.done $0x0  }
0x4c: {  	[sflag:s0] =	ssyncadd.s32 $0xFFFFFF80  }
0x4d: {  	[tilespmem:s13], [sflag:$0x2] =	stream.indirect.gather [hbm4b:s4+s10], $0x80, s10, s10, $0xb8;
	[tilespmem:$0x1C200] =	vst v63  }
0x4e: {  	_ =	swait.ge [sflag:s14], $0x4000  }
0x4f: {  	[sflag:s14] =	ssyncset.done $0x0  }
0x50: {  	[sflag:s14] =	ssyncadd.s32 $0xFFFFC000  }
0x51: {  	[spmem:s1] =	stream.indirect.scatter.add.f32 [tilespmem:s11], [sflag:$0x3], $0x80, s3, s10, $0xb8;
	[tilespmem:$0x1C200] =	vst v63  }
0x52: {  	_ =	swait.ge [sflag:s0], $0x4000  }
0x53: {  	[sflag:s0] =	ssyncset.done $0x0  }
0x54: {  	s23 =	sadd.s32 s5, s22;
	[sflag:s0] =	ssyncadd.s32 $0xFFFFC000  }
0x55: {  	[tilespmem:s2], [sflag:$0x3] =	stream.linear.gather [hbm4b:s23+s2], $0x80, $0x38;
	[tilespmem:$0x1C200] =	vst v63  }
0x56: {  	_ =	swait.ge [sflag:s0], $0x80  }
0x57: {  	[sflag:s0] =	ssyncset.done $0x0  }
0x58: {  	s19 =	sadd.s32 s6, s22;
	[sflag:s0] =	ssyncadd.s32 $0xFFFFFF80  }
0x59: {  	[tilespmem:s3], [sflag:$0x3] =	stream.linear.gather [hbm4b:s19+s2], $0x80, $0x38;
	[tilespmem:$0x1C200] =	vst v63  }
0x5a: {  	_ =	swait.ge [sflag:s0], $0x80  }
0x5b: {  	[sflag:s0] =	ssyncset.done $0x0  }
0x5c: {  	[sflag:s0] =	ssyncadd.s32 $0xFFFFFF80  }
0x5d: {  	[tilespmem:s11], [sflag:$0x1] =	stream.indirect.gather [hbm4b:s4+s10], $0x80, s2, s10, $0xb8;
	[tilespmem:$0x1C200] =	vst v63  }
0x5e: {  	_ =	swait.ge [sflag:s15], $0x4000  }
0x5f: {  	[sflag:s15] =	ssyncset.done $0x0  }
0x60: {  	[sflag:s15] =	ssyncadd.s32 $0xFFFFC000  }
0x61: {  	[spmem:s1] =	stream.indirect.scatter.add.f32 [tilespmem:s13], [sflag:$0x3], $0x80, s12, s10, $0xb8;
	[tilespmem:$0x1C200] =	vst v63  }
0x62: {  	_ =	swait.ge [sflag:s0], $0x4000  }
0x63: {  	[sflag:s0] =	ssyncset.done $0x0  }
0x64: {  	s20 =	sadd.s32 s5, s21;
	[sflag:s0] =	ssyncadd.s32 $0xFFFFC000  }
0x65: {  	[tilespmem:s10], [sflag:$0x3] =	stream.linear.gather [hbm4b:s20+s2], $0x80, $0x38;
	[tilespmem:$0x1C200] =	vst v63  }
0x66: {  	_ =	swait.ge [sflag:s0], $0x80  }
0x67: {  	p0 =	sne.s32 s18, $0x1;
	[sflag:s0] =	ssyncset.done $0x0  }
.Ltmp0:
0x68: {  	s23 =	sadd.s32 s6, s21;
	[sflag:s0] =	ssyncadd.s32 $0xFFFFFF80;
	(pc) =	sbr.rel @!p0 .LBB2_3-.Ltmp0, $4  }
0x69: {  	[tilespmem:s12], [sflag:$0x3] =	stream.linear.gather [hbm4b:s23+s2], $0x80, $0x38;
	[tilespmem:$0x1C200] =	vst v63  }
0x6a: {  	_ =	swait.ge [sflag:s0], $0x80  }
0x6b: {  	s8 =	sadd.s32 $0x20, s6;
	[sflag:s0] =	ssyncset.done $0x0  }
0x6c: {  	s19 =	sadd.s32 $0xFFFFFFFF, s18;
	s20 =	sadd.s32 $0x20, s5;
	[sflag:s0] =	ssyncadd.s32 $0xFFFFFF80  }
.LBB2_2:
0x6d: {  	[tilespmem:s13], [sflag:$0x2] =	stream.indirect.gather [hbm4b:s4+s10], $0x80, s10, s10, $0xb8;
	[tilespmem:$0x1C200] =	vst v63  }
0x6e: {  	p0 =	sne.s32 s19, $0x1;
	s19 =	sadd.s32 $0xFFFFFFFF, s19;
	_ =	swait.ge [sflag:s14], $0x4000  }
0x6f: {  	[sflag:s14] =	ssyncset.done $0x0  }
0x70: {  	[sflag:s14] =	ssyncadd.s32 $0xFFFFC000  }
0x71: {  	[spmem:s1] =	stream.indirect.scatter.add.f32 [tilespmem:s11], [sflag:$0x3], $0x80, s3, s10, $0xb8;
	[tilespmem:$0x1C200] =	vst v63  }
0x72: {  	_ =	swait.ge [sflag:s0], $0x4000  }
0x73: {  	[sflag:s0] =	ssyncset.done $0x0  }
0x74: {  	s23 =	sadd.s32 s20, s22;
	[sflag:s0] =	ssyncadd.s32 $0xFFFFC000  }
0x75: {  	[tilespmem:s2], [sflag:$0x3] =	stream.linear.gather [hbm4b:s23+s2], $0x80, $0x38;
	[tilespmem:$0x1C200] =	vst v63  }
0x76: {  	_ =	swait.ge [sflag:s0], $0x80  }
0x77: {  	[sflag:s0] =	ssyncset.done $0x0  }
0x78: {  	s23 =	sadd.s32 s8, s22;
	[sflag:s0] =	ssyncadd.s32 $0xFFFFFF80  }
0x79: {  	[tilespmem:s3], [sflag:$0x3] =	stream.linear.gather [hbm4b:s23+s2], $0x80, $0x38;
	[tilespmem:$0x1C200] =	vst v63  }
0x7a: {  	_ =	swait.ge [sflag:s0], $0x80  }
0x7b: {  	[sflag:s0] =	ssyncset.done $0x0  }
0x7c: {  	[sflag:s0] =	ssyncadd.s32 $0xFFFFFF80  }
0x7d: {  	[tilespmem:s11], [sflag:$0x1] =	stream.indirect.gather [hbm4b:s4+s10], $0x80, s2, s10, $0xb8;
	[tilespmem:$0x1C200] =	vst v63  }
0x7e: {  	_ =	swait.ge [sflag:s15], $0x4000  }
0x7f: {  	[sflag:s15] =	ssyncset.done $0x0  }
0x80: {  	[sflag:s15] =	ssyncadd.s32 $0xFFFFC000  }
0x81: {  	[spmem:s1] =	stream.indirect.scatter.add.f32 [tilespmem:s13], [sflag:$0x3], $0x80, s12, s10, $0xb8;
	[tilespmem:$0x1C200] =	vst v63  }
0x82: {  	_ =	swait.ge [sflag:s0], $0x4000  }
0x83: {  	[sflag:s0] =	ssyncset.done $0x0  }
0x84: {  	s23 =	sadd.s32 s20, s21;
	[sflag:s0] =	ssyncadd.s32 $0xFFFFC000  }
0x85: {  	[tilespmem:s10], [sflag:$0x3] =	stream.linear.gather [hbm4b:s23+s2], $0x80, $0x38;
	[tilespmem:$0x1C200] =	vst v63  }
0x86: {  	_ =	swait.ge [sflag:s0], $0x80  }
0x87: {  	[sflag:s0] =	ssyncset.done $0x0  }
.Ltmp1:
0x88: {  	s23 =	sadd.s32 s8, s21;
	[sflag:s0] =	ssyncadd.s32 $0xFFFFFF80;
	(pc) =	sbr.rel @p0 .LBB2_2-.Ltmp1, $4  }
0x89: {  	[tilespmem:s12], [sflag:$0x3] =	stream.linear.gather [hbm4b:s23+s2], $0x80, $0x38;
	[tilespmem:$0x1C200] =	vst v63  }
0x8a: {  	_ =	swait.ge [sflag:s0], $0x80  }
0x8b: {  	[sflag:s0] =	ssyncset.done $0x0  }
0x8c: {  	s20 =	sadd.s32 $0x20, s20;
	s8 =	sadd.s32 $0x20, s8;
	[sflag:s0] =	ssyncadd.s32 $0xFFFFFF80  }
.LBB2_3:
0x8d: {  	[tilespmem:s13], [sflag:$0x2] =	stream.indirect.gather [hbm4b:s4+s10], $0x80, s10, s10, $0xb8;
	[tilespmem:$0x1C200] =	vst v63  }
0x8e: {  	_ =	swait.ge [sflag:s14], $0x4000  }
0x8f: {  	[sflag:s14] =	ssyncset.done $0x0  }
0x90: {  	[sflag:s14] =	ssyncadd.s32 $0xFFFFC000  }
0x91: {  	_ =	swait.ge [sflag:s15], $0x4000  }
0x92: {  	[sflag:s15] =	ssyncset.done $0x0  }
0x93: {  	[sflag:s15] =	ssyncadd.s32 $0xFFFFC000  }
0x94: {  	[bflag:$0x0] =	sbarrier.arrive $0xFFFF  }
0x95: {  	s8 =	rddreg [dreg:$0x6]  }
0x96: {  	[hbm:s8], [sflag:s9] =	dma.local [spmem:s17], $0x800  }
0x97: {  	_ =	swait.ge [sflag:s0], $0x800  }
0x98: {  	[sflag:s0] =	ssyncset.done $0x0  }
0x99: {  	s23 =	rddreg [dreg:$0x7];
	[sflag:s0] =	ssyncadd.s32 $0xFFFFF800  }
0x9a: {  	[hbm:s23], [sflag:s9] =	dma.local [spmem:s28], $0x800  }
0x9b: {  	_ =	swait.ge [sflag:s0], $0x800  }
0x9c: {  	[sflag:s0] =	ssyncset.done $0x0  }
0x9d: {  	s17 =	rddreg [dreg:$0x8];
	[sflag:s0] =	ssyncadd.s32 $0xFFFFF800  }
0x9e: {  	[hbm:s17], [sflag:s9] =	dma.local [spmem:s29], $0x800  }
0x9f: {  	_ =	swait.ge [sflag:s0], $0x800  }
0xa0: {  	[sflag:s0] =	ssyncset.done $0x0  }
0xa1: {  	s19 =	rddreg [dreg:$0x9];
	[sflag:s0] =	ssyncadd.s32 $0xFFFFF800  }
0xa2: {  	[hbm:s19], [sflag:s9] =	dma.local [spmem:s30], $0x800  }
0xa3: {  	_ =	swait.ge [sflag:s0], $0x800  }
0xa4: {  	[sflag:s0] =	ssyncset.done $0x0  }
0xa5: {  	s20 =	rddreg [dreg:$0xa];
	[sflag:s0] =	ssyncadd.s32 $0xFFFFF800  }
0xa6: {  	[hbm:s20], [sflag:s9] =	dma.local [spmem:s31], $0x800  }
0xa7: {  	_ =	swait.ge [sflag:s0], $0x800  }
0xa8: {  	s16 =	sadd.s32 $0x1, s16;
	s23 =	rddreg [dreg:$0xc]  }
0xa9: {  	p0 =	sne.s32 s16, s23  }
.Ltmp2:
0xaa: {  	_ = 	snop;
	(pc) =	sbr.rel @p0 .LBB2_1-.Ltmp2, $3  }
0xab: {  	_ =	sdelay $0x1  }
0xac: {  	[sflag:s0] =	ssyncset.done $0x0  }
0xad: {  	[sflag:s0] =	ssyncadd.s32 $0xFFFFF800  }
0xae: {  	_ =	sfence.sel $0x180000  }
0xaf: {  	[bflag:$0x0] =	sbarrier.arrive $0xFFFF  }
0xb0: {  	_ =	strace $0x9000004A  }
0xb1: {  	s0 =	stileid.u32;
	[bflag:$0x2] =	sbarrier.arrive $0xFFFF  }
0xb2: {  	p0 =	sne.s32 s0, $0x0;
	s0 =	rddreg [dreg:$0x2]  }
0xb3: {  	s0 =	sadd.s32 @!p0 $0x100000, s0  }
0xb4: {  	[sflag:s0] =	ssyncadd.tile.s32 @!p0 $0x1;
	_ =	shalt  }
.Lfunc_end2:
_tile_overlayer_lowered:
.L_overlay_start_2:
0xb5: {  	(tag) =	ssettag $0x2  }
0xb6: {  	s0 =	rddreg [dreg:$0x0];
	s2 =	stileid.u32  }
0xb7: {  	s1 =	rddreg [dreg:$0x1];
	p0 =	sne.s32 s2, $0x0  }
0xb8: {  	s3 =	rddreg [dreg:$0x2];
	[bflag:$0x3] =	sbarrier.arrive $0xFFFF;
	s2 =	simm.s32 @!p0 $0x1C03  }
0xb9: {  	[timem:s3], [sflag:s2] =	dma.local @!p0 [hbm:s0], s1  }
0xba: {  	s0 =	simm.s32 @!p0 $0x3  }
0xbb: {  	_ =	swait.ge @!p0 [sflag:s0], s1  }
0xbc: {  	s1 =	ssub.s32 @!p0 $0x0, s1;
	[sflag:s0] =	ssyncset.done @!p0 $0x0  }
0xbd: {  	[sflag:s0] =	ssyncadd.s32 @!p0 s1  }
0xbe: {  	[bflag:$0x3] =	sbarrier.arrive $0xFFFF  }
0xbf: {  	_ =	shalt  }

// kernel: kernel.14.cloned.1.call-start
scs
__scs_entry_jumppad:
0x0: {  	(pc) =	sbr.rel $0x88, $3  }
0x1: {  	(tag) =	ssettag $0x0;
	lr =	simm.s32 $0x1  }
0x2: {  	[smem:$0x3F96] =	sst lr;
	_ =	strace $0xD0000000  }
0x3: {  	_ = 	snop  }
0x4: {  	_ = 	snop  }
0x5: {  	_ = 	snop  }
0x6: {  	_ = 	snop  }
0x7: {  	_ = 	snop  }
__scs_overlays_trampoline_lowered:
0x8: {  	[smem:$0x3FA5] =	sst s0  }
0x9: {  	[smem:$0x3FA6] =	sst s1  }
0xa: {  	[smem:$0x3FA7] =	sst s2  }
0xb: {  	[smem:$0x3FA8] =	sst s3  }
0xc: {  	[smem:$0x3FA9] =	sst s4  }
0xd: {  	[smem:$0x3FAA] =	sst s5  }
0xe: {  	[smem:$0x3FAB] =	sst s6  }
0xf: {  	[smem:$0x3FAC] =	sst s7  }
0x10: {  	[smem:$0x3FAD] =	sst s8  }
0x11: {  	[smem:$0x3FAE] =	sst s9;
	s0 =	simm.s32 @!p0 $0x0  }
0x12: {  	s1 =	sld [smem:$0x3F94];
	s0 =	simm.s32 @p0 $0x1  }
0x13: {  	[smem:$0x3FAF] =	sst s0;
	s0 =	simm.s32 @!p1 $0x0  }
0x14: {  	s2 =	sld [smem:$0x3F93];
	s0 =	simm.s32 @p1 $0x1  }
0x15: {  	[smem:$0x3FB0] =	sst s0;
	s0 =	simm.s32 @!p2 $0x0  }
0x16: {  	s3 =	sld [smem:$0x3FDB];
	s0 =	simm.s32 @p2 $0x1  }
0x17: {  	s4 =	simm.s32 $0x1BF5;
	[smem:$0x3FB2] =	sst s0  }
0x18: {  	s0 =	sld [smem:$0x3F95];
	_ =	swait.ge [sflag:s4], $0x0  }
0x19: {  	s7 =	sld [smem:$0x3F96]  }
0x1a: {  	s8 =	sadd.s32 $0xFFFFE003, lr  }
0x1b: {  	s9 =	sadd.s32 $0xFFFFFEF7, lr;
	s5 =	simm.s32 $0xFFFFFFFF;
	p2 =	slt.u32 s8, $0xFFFFF086  }
0x1c: {  	p1 =	slt.u32 s9, $0xF7A;
	s5 =	simm.s32 @!p2 $0x0  }
0x1d: {  	s5 =	simm.s32 @p1 $0x1;
	p0 =	seq.s32 s7, s2  }
0x1e: {  	s7 =	smul.u32 @!p0 $0xF7A, s2;
	p2 =	seq.s32 @!p0 s5, $0x0  }
0x1f: {  	s9 =	smul.u32 $0xF7A, s1;
	s8 =	simm.s32 @!p0 $0x1BF5;
	p2 =	por !p2, p0  }
0x20: {  	[sflag:s8] =	ssyncset.s32 @!p0 $0xFFFFF086;
	s6 =	sadd.s32 @!p0 s3, s7;
	s7 =	simm.s32 @!p0 $0x108  }
0x21: {  	s3 =	sadd.s32 s3, s9;
	s6 =	sadd.s32 @!p0 $0x88, s6;
	s7 =	simm.s32 @p2 $0x1082  }
0x22: {  	[simem:s7], [sflag:s8] =	dma.local @!p0 [hbm:s6], $0xF7A  }
0x23: {  	s9 =	sor.u32 $0xD0000000, s2;
	s6 =	simm.s32 $0x108;
	_ =	swait.ge @!p0 [sflag:s8], $0x0  }
0x24: {  	s3 =	sadd.s32 $0x88, s3;
	s6 =	simm.s32 @!p1 $0x1082;
	[sflag:s4] =	ssyncset.s32 $0xFFFFF086  }
0x25: {  	[simem:s6], [sflag:s4] =	dma.local [hbm:s3], $0xF7A  }
0x26: {  	[smem:$0x3F96] =	sst s1;
	(tag) =	ssettag s2;
	_ =	strace s9  }
0x27: {  	s1 =	sld [smem:$0x3FA6]  }
0x28: {  	s2 =	sld [smem:$0x3FA7]  }
0x29: {  	s4 =	sld [smem:$0x3FA9]  }
0x2a: {  	p0 =	seq.s32 s5, $0x0;
	s5 =	sld [smem:$0x3FAA]  }
0x2b: {  	s6 =	sld [smem:$0x3FAB]  }
0x2c: {  	s7 =	sld [smem:$0x3FAC]  }
0x2d: {  	s3 =	simm.s32 $0x108;
	s8 =	sld [smem:$0x3FAD]  }
0x2e: {  	s3 =	simm.s32 @!p0 $0x1082;
	s9 =	sld [smem:$0x3FAE]  }
0x2f: {  	lr =	sadd.s32 s0, s3;
	s0 =	sld [smem:$0x3FA5]  }
0x30: {  	s3 =	sld [smem:$0x3FA8]  }
0x31: {  	[smem:$0x3FB1] =	sst s10  }
0x32: {  	s10 =	sld [smem:$0x3FAF];
	_ =	sdelay $0x3  }
0x33: {  	p0 =	seq.s32 s10, $0x1;
	s10 =	sld [smem:$0x3FB1];
	_ =	sdelay $0x3  }
0x34: {  	[smem:$0x3FB1] =	sst s10  }
0x35: {  	s10 =	sld [smem:$0x3FB0];
	_ =	sdelay $0x3  }
0x36: {  	p1 =	seq.s32 s10, $0x1;
	s10 =	sld [smem:$0x3FB1];
	_ =	sdelay $0x3  }
0x37: {  	[smem:$0x3FB1] =	sst s10  }
0x38: {  	s10 =	sld [smem:$0x3FB2]  }
0x39: {  	_ = 	snop;
	(pc) =	sbr.ind lr, $3  }
0x3a: {  	_ = 	snop  }
0x3b: {  	_ = 	snop  }
0x3c: {  	p2 =	seq.s32 s10, $0x1;
	s10 =	sld [smem:$0x3FB1]  }
0x3d: {  	_ =	shalt  }
0x3e: {  	_ =	shalt  }
0x3f: {  	_ =	shalt  }
0x40: {  	_ =	shalt  }
0x41: {  	_ =	shalt  }
0x42: {  	_ =	shalt  }
0x43: {  	_ =	shalt  }
0x44: {  	_ =	shalt  }
0x45: {  	_ =	shalt  }
0x46: {  	_ =	shalt  }
0x47: {  	_ =	shalt  }
0x48: {  	_ =	shalt  }
0x49: {  	_ =	shalt  }
0x4a: {  	_ =	shalt  }
0x4b: {  	_ =	shalt  }
0x4c: {  	_ =	shalt  }
0x4d: {  	_ =	shalt  }
0x4e: {  	_ =	shalt  }
0x4f: {  	_ =	shalt  }
0x50: {  	_ =	shalt  }
0x51: {  	_ =	shalt  }
0x52: {  	_ =	shalt  }
0x53: {  	_ =	shalt  }
0x54: {  	_ =	shalt  }
0x55: {  	_ =	shalt  }
0x56: {  	_ =	shalt  }
0x57: {  	_ =	shalt  }
0x58: {  	_ =	shalt  }
0x59: {  	_ =	shalt  }
0x5a: {  	_ =	shalt  }
0x5b: {  	_ =	shalt  }
0x5c: {  	_ =	shalt  }
0x5d: {  	_ =	shalt  }
0x5e: {  	_ =	shalt  }
0x5f: {  	_ =	shalt  }
0x60: {  	_ =	shalt  }
0x61: {  	_ =	shalt  }
0x62: {  	_ =	shalt  }
0x63: {  	_ =	shalt  }
0x64: {  	_ =	shalt  }
0x65: {  	_ =	shalt  }
0x66: {  	_ =	shalt  }
0x67: {  	_ =	shalt  }
0x68: {  	_ =	shalt  }
0x69: {  	_ =	shalt  }
0x6a: {  	_ =	shalt  }
0x6b: {  	_ =	shalt  }
0x6c: {  	_ =	shalt  }
0x6d: {  	_ =	shalt  }
0x6e: {  	_ =	shalt  }
0x6f: {  	_ =	shalt  }
0x70: {  	_ =	shalt  }
0x71: {  	_ =	shalt  }
0x72: {  	_ =	shalt  }
0x73: {  	_ =	shalt  }
0x74: {  	_ =	shalt  }
0x75: {  	_ =	shalt  }
0x76: {  	_ =	shalt  }
0x77: {  	_ =	shalt  }
0x78: {  	_ =	shalt  }
0x79: {  	_ =	shalt  }
0x7a: {  	_ =	shalt  }
0x7b: {  	_ =	shalt  }
0x7c: {  	_ =	shalt  }
0x7d: {  	_ =	shalt  }
0x7e: {  	_ =	shalt  }
0x7f: {  	_ =	shalt  }
0x80: {  	_ =	shalt  }
0x81: {  	_ =	shalt  }
0x82: {  	_ =	shalt  }
0x83: {  	_ =	shalt  }
0x84: {  	_ =	shalt  }
0x85: {  	_ =	shalt  }
0x86: {  	_ =	shalt  }
0x87: {  	_ =	shalt  }
.Lfunc_end0:
.L_simem_size_0:
called_computation.2_lowered:
.L_overlay_start_0:
0x88: {  	s2 =	sld [smem:$0x3FD9]  }
0x89: {  	s3 =	sld [smem:$0x3FFE];
	_ =	sdelay $0x1  }
0x8a: {  	s1 =	srdreg.scid  }
0x8b: {  	s0 =	sand.u32 $0x1, s1  }
0x8c: {  	s16 =	sshll.u32 s0, $0xA;
	s2 =	sadd.s32 s3, s2  }
0x8d: {  	s2 =	sadd.s32 s2, s16  }
0x8e: {  	[smem:$0x3FBD] =	sst s2  }
0x8f: {  	_ = 	snop  }
0x90: {  	(tm) =	ssettm $0x1  }
0x91: {  	s17 =	sld [smem:$0x3FFB];
	_ =	sdelay $0x3  }
0x92: {  	_ =	strace s17  }
0x93: {  	s2 =	sld [smem:$0x3FFC];
	_ =	sdelay $0x3  }
0x94: {  	_ =	strace s2  }
0x95: {  	s2 =	sld [smem:$0x3FFD];
	_ =	sdelay $0x3  }
0x96: {  	_ =	strace s2  }
0x97: {  	_ =	strace $0x8FFFFFFF  }
0x98: {  	s18 =	sld [smem:$0x3FDB];
	_ =	sdelay $0x1  }
0x99: {  	s19 =	simm.s32 $_scs_section_size  }
0x9a: {  	s4 =	simm.s32 $_size__tile_overlayer_lowered;
	s5 =	simm.s32 $_tile_overlayer_lowered  }
0x9b: {  	s22 =	simm.s32 $0x1BFF;
	s21 =	sshll.u32 s5, $0x1;
	s2 =	sadd.s32 s19, s18  }
0x9c: {  	s6 =	simm.s32 $0x0;
	s20 =	sshll.u32 s4, $0x1;
	s4 =	sadd.s32 s21, s2  }
0x9d: {  	[timem:s6], [sflag:s22] =	dma.local [hbm:s4], s20  }
0x9e: {  	_ =	swait.ge [sflag:s22], s20  }
0x9f: {  	s3 =	ssub.s32 $0x0, s20;
	[sflag:s22] =	ssyncset.done $0x0  }
0xa0: {  	[sflag:s22] =	ssyncadd.s32 s3;
	_ =	sdelay $0x1  }
0xa1: {  	s23 =	simm.s32 $0x1B8B  }
0xa2: {  	_ =	swait.ge [sflag:s23], $0x1  }
0xa3: {  	[sflag:s23] =	ssyncset.done $0x0  }
0xa4: {  	s25 =	simm.s32 $0x1B8E;
	s24 =	sld [smem:$0x3FFE];
	[sflag:s23] =	ssyncadd.s32 $0xFFFFFFFF  }
0xa5: {  	s26 =	simm.s32 $execute0_lowered;
	[smem:$0x3FD2] =	sst s25  }
0xa6: {  	s4 =	sshll.u32 s26, $0x1;
	_ =	strace $0x8000004C;
	[dreg:$0x1] =	wrdreg $0xFFFFFFFF  }
0xa7: {  	s28 =	simm.s32 $_size_execute0_lowered;
	s2 =	sadd.s32 s2, s4;
	[dreg:$0x0] =	wrdreg $0x0  }
0xa8: {  	s4 =	sshll.u32 s28, $0x1;
	[dreg:$0x2] =	wrdreg s2  }
0xa9: {  	[dreg:$0x3] =	wrdreg s4  }
0xaa: {  	[dreg:$0x4] =	wrdreg $0xC0  }
0xab: {  	_ =	task [dreg:s6], $0x5FFFF  }
0xac: {  	[dreg:$0x1] =	wrdreg $0xFFFFFFFF  }
0xad: {  	[dreg:$0x0] =	wrdreg $0x60  }
0xae: {  	[dreg:$0x2] =	wrdreg s24  }
0xaf: {  	[dreg:$0x3] =	wrdreg $0x82000  }
0xb0: {  	[dreg:$0x4] =	wrdreg $0x9  }
0xb1: {  	_ =	task.clear_ibuf [dreg:s6], $0x5FFFF;
	_ =	strace $0x9000004C  }
0xb2: {  	s29 =	simm.s32 $0x9;
	_ =	strace $0x8000004E  }
0xb3: {  	_ =	swait.ge [sflag:s29], $0x1  }
0xb4: {  	[sflag:s29] =	ssyncadd.s32 $0xFFFFFFFF  }
0xb5: {  	_ =	strace $0x9000004E  }
0xb6: {  	_ =	sfence  }
0xb7: {  	s30 =	sld [smem:$0x0];
	_ =	sdelay $0x2  }
0xb8: {  	s31 =	sshll.u32 s1, $0xD;
	s1 =	sshrl.u32 s1, $0x2  }
0xb9: {  	s3 =	sand.u32 $0x4000, s31;
	s1 =	sadd.s32 s1, s30  }
0xba: {  	s0 =	sor.u32 s3, s0;
	s1 =	sshll.u32 s1, $0x11  }
0xbb: {  	s0 =	sor.u32 s1, s0  }
0xbc: {  	s0 =	sadd.s32 $0x8F2B, s0  }
0xbd: {  	[sflag:s0] =	ssyncadd.remote.s32 $0x1  }
0xbe: {  	_ =	sfence.sel $0xFFFF  }
0xbf: {  	[dreg:$0x0] =	wrdreg $0xFFFFFFFF;
	(pc) =	sbr.abs _section_cstart, $3  }
0xc0: {  	[dreg:$0x1] =	wrdreg $0xFFFFFFFF  }
0xc1: {  	_ =	task.clear_ibuf [dreg:s6], $0x2FFFF;
	_ =	strace $0x9FFFFFFF  }
0xc2: {  	(tm) =	ssettm $0x7FFFFFFF  }
0xc3: {  	_ =	shalt  }
tec
execute0_lowered:
.L_overlay_start_1:
0x0: {  	(tag) =	ssettag $0x1  }
0x1: {  	s0 =	rddreg [dreg:$0x0]  }
0x2: {  	s1 =	rddreg [dreg:$0x1]  }
0x3: {  	s2 =	simm.s32 $0x0;
	s3 =	srdreg.scid;
	s13 =	stileid.u32  }
0x4: {  	[smem:$0x7FF] =	sst s2;
	s4 =	sadd.s32 $0x67A00, s0;
	s5 =	sadd.s32 $0x5D800, s0  }
0x5: {  	s3 =	sand.u32 $0x1, s3;
	s6 =	sadd.s32 $0x2600, s0;
	s9 =	smul.u32 $0x50000, s13  }
0x6: {  	s7 =	sadd.s32 $0xC800, s0;
	s11 =	smul.u32 $0x5000, s13;
	s0 =	sadd.s32 $0xB7A00, s0  }
0x7: {  	s12 =	smul.u32 $0x280, s13;
	s13 =	sshll.u32 s13, $0x6;
	_ =	strace $0x8000004D  }
0x8: {  	s8 =	ssub.s32 $0x2, s3;
	s17 =	smul.u32 $0x3C00, s3;
	p0 =	seq.s32 s3, $0x0  }
0x9: {  	s3 =	smul.u32 $0x2800, s3;
	s10 =	sshrl.u32 s8, $0x1;
	s9 =	sshrl.u32 s9, $0x2  }
0xa: {  	s21 =	sadd.s32 $0x80, s12;
	s23 =	sadd.s32 $0x100, s12;
	s25 =	sadd.s32 $0x180, s12  }
0xb: {  	s8 =	ssub.s32 s8, s10;
	s19 =	sadd.s32 s9, s1;
	s9 =	sor.u32 $0x1C03, s13  }
0xc: {  	s10 =	sadd.s32 s17, s11;
	s14 =	sadd.s32 s3, s12;
	s15 =	sadd.s32 s3, s21  }
0xd: {  	s24 =	sadd.s32 s3, s23;
	s12 =	sadd.s32 $0x200, s12;
	s17 =	sadd.s32 s3, s25  }
0xe: {  	s11 =	sshrl.u32 s10, $0x3;
	s14 =	sshll.u32 s14, $0x4;
	s15 =	sshll.u32 s15, $0x4  }
0xf: {  	s3 =	sadd.s32 s3, s12;
	s26 =	sshll.u32 s17, $0x4;
	s13 =	smax.u32 s8, $0x1  }
0x10: {  	s17 =	sor.u32 $0x180, s10;
	s10 =	sor.u32 $0x100, s10;
	s18 =	sadd.s32 s5, s11  }
0x11: {  	s20 =	sadd.s32 s6, s11;
	s11 =	sor.u32 $0x10, s11;
	[dreg:$0xc] =	wrdreg s13  }
0x12: {  	s14 =	sadd.s32 s0, s14;
	s22 =	sadd.s32 s0, s15;
	[dreg:$0x3] =	wrdreg s18  }
0x13: {  	s15 =	sshll.u32 s24, $0x4;
	s3 =	sshll.u32 s3, $0x4;
	[dreg:$0x4] =	wrdreg s20  }
0x14: {  	s24 =	sadd.s32 $0x8000, s19;
	s13 =	simm.s32 $0x4200;
	[dreg:$0x6] =	wrdreg s14  }
0x15: {  	s16 =	sadd.s32 s5, s11;
	[dreg:$0x7] =	wrdreg s22;
	s15 =	sadd.s32 s0, s15  }
0x16: {  	s18 =	simm.s32 $0x3C;
	s14 =	sshll.u32 s23, $0x7;
	s20 =	sadd.s32 $0x4000, s19  }
0x17: {  	s22 =	sshrl.u32 s10, $0x3;
	s10 =	sshrl.u32 s24, $0x3;
	[dreg:$0x5] =	wrdreg s16  }
0x18: {  	s24 =	smov.u32 s19;
	[dreg:$0x8] =	wrdreg s15;
	s15 =	sadd.s32 s0, s26  }
0x19: {  	s0 =	sadd.s32 s0, s3;
	s3 =	sadd.s32 s6, s11;
	s18 =	simm.s32 @!p0 $0x14  }
0x1a: {  	s11 =	sshll.u32 s21, $0x7;
	s16 =	sshll.u32 s12, $0x7;
	[dreg:$0xe] =	wrdreg s10  }
0x1b: {  	s21 =	sshrl.u32 s17, $0x3;
	s23 =	sshrl.u32 s20, $0x3;
	[dreg:$0x9] =	wrdreg s15  }
0x1c: {  	s26 =	sadd.s32 $0x10000, s19;
	s10 =	simm.s32 $0x80;
	[dreg:$0xa] =	wrdreg s0  }
0x1d: {  	s12 =	simm.s32 $0x180;
	[dreg:$0xb] =	wrdreg s3;
	s0 =	sadd.s32 s11, s1  }
0x1e: {  	s3 =	sadd.s32 s14, s1;
	s15 =	sshll.u32 s25, $0x7;
	s11 =	sadd.s32 s16, s1  }
0x1f: {  	[dreg:$0xd] =	wrdreg s23;
	s25 =	sadd.s32 $0xC000, s19;
	s26 =	sshrl.u32 s26, $0x3  }
0x20: {  	s14 =	simm.s32 $0x1;
	s16 =	simm.s32 $0x0;
	s8 =	sadd.s32 s15, s1  }
0x21: {  	s25 =	sshrl.u32 s25, $0x3;
	s28 =	sshrl.u32 s0, $0x3;
	s29 =	sshrl.u32 s3, $0x3  }
0x22: {  	s31 =	sshrl.u32 s11, $0x3;
	s0 =	simm.s32 $0x3;
	s3 =	simm.s32 $0x100  }
0x23: {  	s11 =	simm.s32 $0x200;
	s15 =	simm.s32 $0x2;
	s30 =	sshrl.u32 s8, $0x3  }
.LBB2_1:
0x24: {  	s17 =	sshrl.u32 s24, $0x3  }
0x25: {  	[spmem:s17], [sflag:s9] =	dma.local [hbm:s7], $0x800  }
0x26: {  	_ =	swait.ge [sflag:s0], $0x800  }
0x27: {  	[sflag:s0] =	ssyncset.done $0x0  }
0x28: {  	s8 =	rddreg [dreg:$0xd];
	[sflag:s0] =	ssyncadd.s32 $0xFFFFF800  }
0x29: {  	[spmem:s8], [sflag:s9] =	dma.local [hbm:s7], $0x800  }
0x2a: {  	_ =	swait.ge [sflag:s0], $0x800  }
0x2b: {  	[sflag:s0] =	ssyncset.done $0x0  }
0x2c: {  	s19 =	rddreg [dreg:$0xe];
	[sflag:s0] =	ssyncadd.s32 $0xFFFFF800  }
0x2d: {  	[spmem:s19], [sflag:s9] =	dma.local [hbm:s7], $0x800  }
0x2e: {  	_ =	swait.ge [sflag:s0], $0x800  }
0x2f: {  	[sflag:s0] =	ssyncset.done $0x0  }
0x30: {  	[sflag:s0] =	ssyncadd.s32 $0xFFFFF800  }
0x31: {  	[spmem:s25], [sflag:s9] =	dma.local [hbm:s7], $0x800  }
0x32: {  	_ =	swait.ge [sflag:s0], $0x800  }
0x33: {  	[sflag:s0] =	ssyncset.done $0x0  }
0x34: {  	[sflag:s0] =	ssyncadd.s32 $0xFFFFF800  }
0x35: {  	[spmem:s26], [sflag:s9] =	dma.local [hbm:s7], $0x800  }
0x36: {  	_ =	swait.ge [sflag:s0], $0x800  }
0x37: {  	[sflag:s0] =	ssyncset.done $0x0  }
0x38: {  	[sflag:s0] =	ssyncadd.s32 $0xFFFFF800  }
0x39: {  	[bflag:$0x0] =	sbarrier.arrive $0xFFFF  }
0x3a: {  	s20 =	rddreg [dreg:$0x3]  }
0x3b: {  	[tilespmem:s2], [sflag:$0x3] =	stream.linear.gather [hbm4b:s20+s2], $0x80, $0x38;
	[tilespmem:$0x1C200] =	vst v63  }
0x3c: {  	_ =	swait.ge [sflag:s0], $0x80  }
0x3d: {  	[sflag:s0] =	ssyncset.done $0x0  }
0x3e: {  	s23 =	rddreg [dreg:$0x4];
	[sflag:s0] =	ssyncadd.s32 $0xFFFFFF80  }
0x3f: {  	[tilespmem:s3], [sflag:$0x3] =	stream.linear.gather [hbm4b:s23+s2], $0x80, $0x38;
	[tilespmem:$0x1C200] =	vst v63  }
0x40: {  	_ =	swait.ge [sflag:s0], $0x80  }
0x41: {  	[sflag:s0] =	ssyncset.done $0x0  }
0x42: {  	[sflag:s0] =	ssyncadd.s32 $0xFFFFFF80  }
0x43: {  	[tilespmem:s11], [sflag:$0x1] =	stream.indirect.gather [hbm4b:s4+s10], $0x80, s2, s10, $0xb8;
	[tilespmem:$0x1C200] =	vst v63  }
0x44: {  	s19 =	rddreg [dreg:$0x5]  }
0x45: {  	[tilespmem:s10], [sflag:$0x3] =	stream.linear.gather [hbm4b:s19+s2], $0x80, $0x38;
	[tilespmem:$0x1C200] =	vst v63  }
0x46: {  	_ =	swait.ge [sflag:s0], $0x80  }
0x47: {  	[sflag:s0] =	ssyncset.done $0x0  }
0x48: {  	s20 =	rddreg [dreg:$0xb];
	[sflag:s0] =	ssyncadd.s32 $0xFFFFFF80  }
0x49: {  	[tilespmem:s12], [sflag:$0x3] =	stream.linear.gather [hbm4b:s20+s2], $0x80, $0x38;
	[tilespmem:$0x1C200] =	vst v63  }
0x4a: {  	_ =	swait.ge [sflag:s0], $0x80  }
0x4b: {  	[sflag:s0] =	ssyncset.done $0x0  }
0x4c: {  	[sflag:s0] =	ssyncadd.s32 $0xFFFFFF80  }
0x4d: {  	[tilespmem:s13], [sflag:$0x2] =	stream.indirect.gather [hbm4b:s4+s10], $0x80, s10, s10, $0xb8;
	[tilespmem:$0x1C200] =	vst v63  }
0x4e: {  	_ =	swait.ge [sflag:s14], $0x4000  }
0x4f: {  	[sflag:s14] =	ssyncset.done $0x0  }
0x50: {  	[sflag:s14] =	ssyncadd.s32 $0xFFFFC000  }
0x51: {  	[spmem:s1] =	stream.indirect.scatter.add.f32 [tilespmem:s11], [sflag:$0x3], $0x80, s3, s10, $0xb8;
	[tilespmem:$0x1C200] =	vst v63  }
0x52: {  	_ =	swait.ge [sflag:s0], $0x4000  }
0x53: {  	[sflag:s0] =	ssyncset.done $0x0  }
0x54: {  	s23 =	sadd.s32 s5, s22;
	[sflag:s0] =	ssyncadd.s32 $0xFFFFC000  }
0x55: {  	[tilespmem:s2], [sflag:$0x3] =	stream.linear.gather [hbm4b:s23+s2], $0x80, $0x38;
	[tilespmem:$0x1C200] =	vst v63  }
0x56: {  	_ =	swait.ge [sflag:s0], $0x80  }
0x57: {  	[sflag:s0] =	ssyncset.done $0x0  }
0x58: {  	s19 =	sadd.s32 s6, s22;
	[sflag:s0] =	ssyncadd.s32 $0xFFFFFF80  }
0x59: {  	[tilespmem:s3], [sflag:$0x3] =	stream.linear.gather [hbm4b:s19+s2], $0x80, $0x38;
	[tilespmem:$0x1C200] =	vst v63  }
0x5a: {  	_ =	swait.ge [sflag:s0], $0x80  }
0x5b: {  	[sflag:s0] =	ssyncset.done $0x0  }
0x5c: {  	[sflag:s0] =	ssyncadd.s32 $0xFFFFFF80  }
0x5d: {  	[tilespmem:s11], [sflag:$0x1] =	stream.indirect.gather [hbm4b:s4+s10], $0x80, s2, s10, $0xb8;
	[tilespmem:$0x1C200] =	vst v63  }
0x5e: {  	_ =	swait.ge [sflag:s15], $0x4000  }
0x5f: {  	[sflag:s15] =	ssyncset.done $0x0  }
0x60: {  	[sflag:s15] =	ssyncadd.s32 $0xFFFFC000  }
0x61: {  	[spmem:s1] =	stream.indirect.scatter.add.f32 [tilespmem:s13], [sflag:$0x3], $0x80, s12, s10, $0xb8;
	[tilespmem:$0x1C200] =	vst v63  }
0x62: {  	_ =	swait.ge [sflag:s0], $0x4000  }
0x63: {  	[sflag:s0] =	ssyncset.done $0x0  }
0x64: {  	s20 =	sadd.s32 s5, s21;
	[sflag:s0] =	ssyncadd.s32 $0xFFFFC000  }
0x65: {  	[tilespmem:s10], [sflag:$0x3] =	stream.linear.gather [hbm4b:s20+s2], $0x80, $0x38;
	[tilespmem:$0x1C200] =	vst v63  }
0x66: {  	_ =	swait.ge [sflag:s0], $0x80  }
0x67: {  	p0 =	sne.s32 s18, $0x1;
	[sflag:s0] =	ssyncset.done $0x0  }
.Ltmp0:
0x68: {  	s23 =	sadd.s32 s6, s21;
	[sflag:s0] =	ssyncadd.s32 $0xFFFFFF80;
	(pc) =	sbr.rel @!p0 .LBB2_3-.Ltmp0, $4  }
0x69: {  	[tilespmem:s12], [sflag:$0x3] =	stream.linear.gather [hbm4b:s23+s2], $0x80, $0x38;
	[tilespmem:$0x1C200] =	vst v63  }
0x6a: {  	_ =	swait.ge [sflag:s0], $0x80  }
0x6b: {  	s8 =	sadd.s32 $0x20, s6;
	[sflag:s0] =	ssyncset.done $0x0  }
0x6c: {  	s19 =	sadd.s32 $0xFFFFFFFF, s18;
	s20 =	sadd.s32 $0x20, s5;
	[sflag:s0] =	ssyncadd.s32 $0xFFFFFF80  }
.LBB2_2:
0x6d: {  	[tilespmem:s13], [sflag:$0x2] =	stream.indirect.gather [hbm4b:s4+s10], $0x80, s10, s10, $0xb8;
	[tilespmem:$0x1C200] =	vst v63  }
0x6e: {  	p0 =	sne.s32 s19, $0x1;
	s19 =	sadd.s32 $0xFFFFFFFF, s19;
	_ =	swait.ge [sflag:s14], $0x4000  }
0x6f: {  	[sflag:s14] =	ssyncset.done $0x0  }
0x70: {  	[sflag:s14] =	ssyncadd.s32 $0xFFFFC000  }
0x71: {  	[spmem:s1] =	stream.indirect.scatter.add.f32 [tilespmem:s11], [sflag:$0x3], $0x80, s3, s10, $0xb8;
	[tilespmem:$0x1C200] =	vst v63  }
0x72: {  	_ =	swait.ge [sflag:s0], $0x4000  }
0x73: {  	[sflag:s0] =	ssyncset.done $0x0  }
0x74: {  	s23 =	sadd.s32 s20, s22;
	[sflag:s0] =	ssyncadd.s32 $0xFFFFC000  }
0x75: {  	[tilespmem:s2], [sflag:$0x3] =	stream.linear.gather [hbm4b:s23+s2], $0x80, $0x38;
	[tilespmem:$0x1C200] =	vst v63  }
0x76: {  	_ =	swait.ge [sflag:s0], $0x80  }
0x77: {  	[sflag:s0] =	ssyncset.done $0x0  }
0x78: {  	s23 =	sadd.s32 s8, s22;
	[sflag:s0] =	ssyncadd.s32 $0xFFFFFF80  }
0x79: {  	[tilespmem:s3], [sflag:$0x3] =	stream.linear.gather [hbm4b:s23+s2], $0x80, $0x38;
	[tilespmem:$0x1C200] =	vst v63  }
0x7a: {  	_ =	swait.ge [sflag:s0], $0x80  }
0x7b: {  	[sflag:s0] =	ssyncset.done $0x0  }
0x7c: {  	[sflag:s0] =	ssyncadd.s32 $0xFFFFFF80  }
0x7d: {  	[tilespmem:s11], [sflag:$0x1] =	stream.indirect.gather [hbm4b:s4+s10], $0x80, s2, s10, $0xb8;
	[tilespmem:$0x1C200] =	vst v63  }
0x7e: {  	_ =	swait.ge [sflag:s15], $0x4000  }
0x7f: {  	[sflag:s15] =	ssyncset.done $0x0  }
0x80: {  	[sflag:s15] =	ssyncadd.s32 $0xFFFFC000  }
0x81: {  	[spmem:s1] =	stream.indirect.scatter.add.f32 [tilespmem:s13], [sflag:$0x3], $0x80, s12, s10, $0xb8;
	[tilespmem:$0x1C200] =	vst v63  }
0x82: {  	_ =	swait.ge [sflag:s0], $0x4000  }
0x83: {  	[sflag:s0] =	ssyncset.done $0x0  }
0x84: {  	s23 =	sadd.s32 s20, s21;
	[sflag:s0] =	ssyncadd.s32 $0xFFFFC000  }
0x85: {  	[tilespmem:s10], [sflag:$0x3] =	stream.linear.gather [hbm4b:s23+s2], $0x80, $0x38;
	[tilespmem:$0x1C200] =	vst v63  }
0x86: {  	_ =	swait.ge [sflag:s0], $0x80  }
0x87: {  	[sflag:s0] =	ssyncset.done $0x0  }
.Ltmp1:
0x88: {  	s23 =	sadd.s32 s8, s21;
	[sflag:s0] =	ssyncadd.s32 $0xFFFFFF80;
	(pc) =	sbr.rel @p0 .LBB2_2-.Ltmp1, $4  }
0x89: {  	[tilespmem:s12], [sflag:$0x3] =	stream.linear.gather [hbm4b:s23+s2], $0x80, $0x38;
	[tilespmem:$0x1C200] =	vst v63  }
0x8a: {  	_ =	swait.ge [sflag:s0], $0x80  }
0x8b: {  	[sflag:s0] =	ssyncset.done $0x0  }
0x8c: {  	s20 =	sadd.s32 $0x20, s20;
	s8 =	sadd.s32 $0x20, s8;
	[sflag:s0] =	ssyncadd.s32 $0xFFFFFF80  }
.LBB2_3:
0x8d: {  	[tilespmem:s13], [sflag:$0x2] =	stream.indirect.gather [hbm4b:s4+s10], $0x80, s10, s10, $0xb8;
	[tilespmem:$0x1C200] =	vst v63  }
0x8e: {  	_ =	swait.ge [sflag:s14], $0x4000  }
0x8f: {  	[sflag:s14] =	ssyncset.done $0x0  }
0x90: {  	[sflag:s14] =	ssyncadd.s32 $0xFFFFC000  }
0x91: {  	_ =	swait.ge [sflag:s15], $0x4000  }
0x92: {  	[sflag:s15] =	ssyncset.done $0x0  }
0x93: {  	[sflag:s15] =	ssyncadd.s32 $0xFFFFC000  }
0x94: {  	[bflag:$0x0] =	sbarrier.arrive $0xFFFF  }
0x95: {  	s8 =	rddreg [dreg:$0x6]  }
0x96: {  	[hbm:s8], [sflag:s9] =	dma.local [spmem:s17], $0x800  }
0x97: {  	_ =	swait.ge [sflag:s0], $0x800  }
0x98: {  	[sflag:s0] =	ssyncset.done $0x0  }
0x99: {  	s23 =	rddreg [dreg:$0x7];
	[sflag:s0] =	ssyncadd.s32 $0xFFFFF800  }
0x9a: {  	[hbm:s23], [sflag:s9] =	dma.local [spmem:s28], $0x800  }
0x9b: {  	_ =	swait.ge [sflag:s0], $0x800  }
0x9c: {  	[sflag:s0] =	ssyncset.done $0x0  }
0x9d: {  	s17 =	rddreg [dreg:$0x8];
	[sflag:s0] =	ssyncadd.s32 $0xFFFFF800  }
0x9e: {  	[hbm:s17], [sflag:s9] =	dma.local [spmem:s29], $0x800  }
0x9f: {  	_ =	swait.ge [sflag:s0], $0x800  }
0xa0: {  	[sflag:s0] =	ssyncset.done $0x0  }
0xa1: {  	s19 =	rddreg [dreg:$0x9];
	[sflag:s0] =	ssyncadd.s32 $0xFFFFF800  }
0xa2: {  	[hbm:s19], [sflag:s9] =	dma.local [spmem:s30], $0x800  }
0xa3: {  	_ =	swait.ge [sflag:s0], $0x800  }
0xa4: {  	[sflag:s0] =	ssyncset.done $0x0  }
0xa5: {  	s20 =	rddreg [dreg:$0xa];
	[sflag:s0] =	ssyncadd.s32 $0xFFFFF800  }
0xa6: {  	[hbm:s20], [sflag:s9] =	dma.local [spmem:s31], $0x800  }
0xa7: {  	_ =	swait.ge [sflag:s0], $0x800  }
0xa8: {  	s16 =	sadd.s32 $0x1, s16;
	s23 =	rddreg [dreg:$0xc]  }
0xa9: {  	p0 =	sne.s32 s16, s23  }
.Ltmp2:
0xaa: {  	_ = 	snop;
	(pc) =	sbr.rel @p0 .LBB2_1-.Ltmp2, $3  }
0xab: {  	_ =	sdelay $0x1  }
0xac: {  	[sflag:s0] =	ssyncset.done $0x0  }
0xad: {  	[sflag:s0] =	ssyncadd.s32 $0xFFFFF800  }
0xae: {  	_ =	sfence.sel $0x180000  }
0xaf: {  	[bflag:$0x0] =	sbarrier.arrive $0xFFFF  }
0xb0: {  	_ =	strace $0x9000004D  }
0xb1: {  	s0 =	stileid.u32;
	[bflag:$0x2] =	sbarrier.arrive $0xFFFF  }
0xb2: {  	p0 =	sne.s32 s0, $0x0;
	s0 =	rddreg [dreg:$0x2]  }
0xb3: {  	s0 =	sadd.s32 @!p0 $0x100000, s0  }
0xb4: {  	[sflag:s0] =	ssyncadd.tile.s32 @!p0 $0x1;
	_ =	shalt  }
.Lfunc_end2:
_tile_overlayer_lowered:
.L_overlay_start_2:
0xb5: {  	(tag) =	ssettag $0x2  }
0xb6: {  	s0 =	rddreg [dreg:$0x0];
	s2 =	stileid.u32  }
0xb7: {  	s1 =	rddreg [dreg:$0x1];
	p0 =	sne.s32 s2, $0x0  }
0xb8: {  	s3 =	rddreg [dreg:$0x2];
	[bflag:$0x3] =	sbarrier.arrive $0xFFFF;
	s2 =	simm.s32 @!p0 $0x1C03  }
0xb9: {  	[timem:s3], [sflag:s2] =	dma.local @!p0 [hbm:s0], s1  }
0xba: {  	s0 =	simm.s32 @!p0 $0x3  }
0xbb: {  	_ =	swait.ge @!p0 [sflag:s0], s1  }
0xbc: {  	s1 =	ssub.s32 @!p0 $0x0, s1;
	[sflag:s0] =	ssyncset.done @!p0 $0x0  }
0xbd: {  	[sflag:s0] =	ssyncadd.s32 @!p0 s1  }
0xbe: {  	[bflag:$0x3] =	sbarrier.arrive $0xFFFF  }
0xbf: {  	_ =	shalt  }

// kernel: kernel.8.cloned.1.call-start
scs
__scs_entry_jumppad:
0x0: {  	(pc) =	sbr.rel $0x88, $3  }
0x1: {  	(tag) =	ssettag $0x0;
	lr =	simm.s32 $0x1  }
0x2: {  	[smem:$0x3F96] =	sst lr;
	_ =	strace $0xD0000000  }
0x3: {  	_ = 	snop  }
0x4: {  	_ = 	snop  }
0x5: {  	_ = 	snop  }
0x6: {  	_ = 	snop  }
0x7: {  	_ = 	snop  }
__scs_overlays_trampoline_lowered:
0x8: {  	[smem:$0x3FA5] =	sst s0  }
0x9: {  	[smem:$0x3FA6] =	sst s1  }
0xa: {  	[smem:$0x3FA7] =	sst s2  }
0xb: {  	[smem:$0x3FA8] =	sst s3  }
0xc: {  	[smem:$0x3FA9] =	sst s4  }
0xd: {  	[smem:$0x3FAA] =	sst s5  }
0xe: {  	[smem:$0x3FAB] =	sst s6  }
0xf: {  	[smem:$0x3FAC] =	sst s7  }
0x10: {  	[smem:$0x3FAD] =	sst s8  }
0x11: {  	[smem:$0x3FAE] =	sst s9;
	s0 =	simm.s32 @!p0 $0x0  }
0x12: {  	s1 =	sld [smem:$0x3F94];
	s0 =	simm.s32 @p0 $0x1  }
0x13: {  	[smem:$0x3FAF] =	sst s0;
	s0 =	simm.s32 @!p1 $0x0  }
0x14: {  	s2 =	sld [smem:$0x3F93];
	s0 =	simm.s32 @p1 $0x1  }
0x15: {  	[smem:$0x3FB0] =	sst s0;
	s0 =	simm.s32 @!p2 $0x0  }
0x16: {  	s3 =	sld [smem:$0x3FDB];
	s0 =	simm.s32 @p2 $0x1  }
0x17: {  	s4 =	simm.s32 $0x1BF5;
	[smem:$0x3FB2] =	sst s0  }
0x18: {  	s0 =	sld [smem:$0x3F95];
	_ =	swait.ge [sflag:s4], $0x0  }
0x19: {  	s7 =	sld [smem:$0x3F96]  }
0x1a: {  	s8 =	sadd.s32 $0xFFFFE003, lr  }
0x1b: {  	s9 =	sadd.s32 $0xFFFFFEF7, lr;
	s5 =	simm.s32 $0xFFFFFFFF;
	p2 =	slt.u32 s8, $0xFFFFF086  }
0x1c: {  	p1 =	slt.u32 s9, $0xF7A;
	s5 =	simm.s32 @!p2 $0x0  }
0x1d: {  	s5 =	simm.s32 @p1 $0x1;
	p0 =	seq.s32 s7, s2  }
0x1e: {  	s7 =	smul.u32 @!p0 $0xF7A, s2;
	p2 =	seq.s32 @!p0 s5, $0x0  }
0x1f: {  	s9 =	smul.u32 $0xF7A, s1;
	s8 =	simm.s32 @!p0 $0x1BF5;
	p2 =	por !p2, p0  }
0x20: {  	[sflag:s8] =	ssyncset.s32 @!p0 $0xFFFFF086;
	s6 =	sadd.s32 @!p0 s3, s7;
	s7 =	simm.s32 @!p0 $0x108  }
0x21: {  	s3 =	sadd.s32 s3, s9;
	s6 =	sadd.s32 @!p0 $0x88, s6;
	s7 =	simm.s32 @p2 $0x1082  }
0x22: {  	[simem:s7], [sflag:s8] =	dma.local @!p0 [hbm:s6], $0xF7A  }
0x23: {  	s9 =	sor.u32 $0xD0000000, s2;
	s6 =	simm.s32 $0x108;
	_ =	swait.ge @!p0 [sflag:s8], $0x0  }
0x24: {  	s3 =	sadd.s32 $0x88, s3;
	s6 =	simm.s32 @!p1 $0x1082;
	[sflag:s4] =	ssyncset.s32 $0xFFFFF086  }
0x25: {  	[simem:s6], [sflag:s4] =	dma.local [hbm:s3], $0xF7A  }
0x26: {  	[smem:$0x3F96] =	sst s1;
	(tag) =	ssettag s2;
	_ =	strace s9  }
0x27: {  	s1 =	sld [smem:$0x3FA6]  }
0x28: {  	s2 =	sld [smem:$0x3FA7]  }
0x29: {  	s4 =	sld [smem:$0x3FA9]  }
0x2a: {  	p0 =	seq.s32 s5, $0x0;
	s5 =	sld [smem:$0x3FAA]  }
0x2b: {  	s6 =	sld [smem:$0x3FAB]  }
0x2c: {  	s7 =	sld [smem:$0x3FAC]  }
0x2d: {  	s3 =	simm.s32 $0x108;
	s8 =	sld [smem:$0x3FAD]  }
0x2e: {  	s3 =	simm.s32 @!p0 $0x1082;
	s9 =	sld [smem:$0x3FAE]  }
0x2f: {  	lr =	sadd.s32 s0, s3;
	s0 =	sld [smem:$0x3FA5]  }
0x30: {  	s3 =	sld [smem:$0x3FA8]  }
0x31: {  	[smem:$0x3FB1] =	sst s10  }
0x32: {  	s10 =	sld [smem:$0x3FAF];
	_ =	sdelay $0x3  }
0x33: {  	p0 =	seq.s32 s10, $0x1;
	s10 =	sld [smem:$0x3FB1];
	_ =	sdelay $0x3  }
0x34: {  	[smem:$0x3FB1] =	sst s10  }
0x35: {  	s10 =	sld [smem:$0x3FB0];
	_ =	sdelay $0x3  }
0x36: {  	p1 =	seq.s32 s10, $0x1;
	s10 =	sld [smem:$0x3FB1];
	_ =	sdelay $0x3  }
0x37: {  	[smem:$0x3FB1] =	sst s10  }
0x38: {  	s10 =	sld [smem:$0x3FB2]  }
0x39: {  	_ = 	snop;
	(pc) =	sbr.ind lr, $3  }
0x3a: {  	_ = 	snop  }
0x3b: {  	_ = 	snop  }
0x3c: {  	p2 =	seq.s32 s10, $0x1;
	s10 =	sld [smem:$0x3FB1]  }
0x3d: {  	_ =	shalt  }
0x3e: {  	_ =	shalt  }
0x3f: {  	_ =	shalt  }
0x40: {  	_ =	shalt  }
0x41: {  	_ =	shalt  }
0x42: {  	_ =	shalt  }
0x43: {  	_ =	shalt  }
0x44: {  	_ =	shalt  }
0x45: {  	_ =	shalt  }
0x46: {  	_ =	shalt  }
0x47: {  	_ =	shalt  }
0x48: {  	_ =	shalt  }
0x49: {  	_ =	shalt  }
0x4a: {  	_ =	shalt  }
0x4b: {  	_ =	shalt  }
0x4c: {  	_ =	shalt  }
0x4d: {  	_ =	shalt  }
0x4e: {  	_ =	shalt  }
0x4f: {  	_ =	shalt  }
0x50: {  	_ =	shalt  }
0x51: {  	_ =	shalt  }
0x52: {  	_ =	shalt  }
0x53: {  	_ =	shalt  }
0x54: {  	_ =	shalt  }
0x55: {  	_ =	shalt  }
0x56: {  	_ =	shalt  }
0x57: {  	_ =	shalt  }
0x58: {  	_ =	shalt  }
0x59: {  	_ =	shalt  }
0x5a: {  	_ =	shalt  }
0x5b: {  	_ =	shalt  }
0x5c: {  	_ =	shalt  }
0x5d: {  	_ =	shalt  }
0x5e: {  	_ =	shalt  }
0x5f: {  	_ =	shalt  }
0x60: {  	_ =	shalt  }
0x61: {  	_ =	shalt  }
0x62: {  	_ =	shalt  }
0x63: {  	_ =	shalt  }
0x64: {  	_ =	shalt  }
0x65: {  	_ =	shalt  }
0x66: {  	_ =	shalt  }
0x67: {  	_ =	shalt  }
0x68: {  	_ =	shalt  }
0x69: {  	_ =	shalt  }
0x6a: {  	_ =	shalt  }
0x6b: {  	_ =	shalt  }
0x6c: {  	_ =	shalt  }
0x6d: {  	_ =	shalt  }
0x6e: {  	_ =	shalt  }
0x6f: {  	_ =	shalt  }
0x70: {  	_ =	shalt  }
0x71: {  	_ =	shalt  }
0x72: {  	_ =	shalt  }
0x73: {  	_ =	shalt  }
0x74: {  	_ =	shalt  }
0x75: {  	_ =	shalt  }
0x76: {  	_ =	shalt  }
0x77: {  	_ =	shalt  }
0x78: {  	_ =	shalt  }
0x79: {  	_ =	shalt  }
0x7a: {  	_ =	shalt  }
0x7b: {  	_ =	shalt  }
0x7c: {  	_ =	shalt  }
0x7d: {  	_ =	shalt  }
0x7e: {  	_ =	shalt  }
0x7f: {  	_ =	shalt  }
0x80: {  	_ =	shalt  }
0x81: {  	_ =	shalt  }
0x82: {  	_ =	shalt  }
0x83: {  	_ =	shalt  }
0x84: {  	_ =	shalt  }
0x85: {  	_ =	shalt  }
0x86: {  	_ =	shalt  }
0x87: {  	_ =	shalt  }
.Lfunc_end0:
.L_simem_size_0:
called_computation_lowered:
.L_overlay_start_0:
0x88: {  	s2 =	sld [smem:$0x3FD9]  }
0x89: {  	s3 =	sld [smem:$0x3FFE];
	_ =	sdelay $0x1  }
0x8a: {  	s1 =	srdreg.scid  }
0x8b: {  	s0 =	sand.u32 $0x1, s1  }
0x8c: {  	s16 =	sshll.u32 s0, $0xA;
	s2 =	sadd.s32 s3, s2  }
0x8d: {  	s2 =	sadd.s32 s2, s16  }
0x8e: {  	[smem:$0x3FBD] =	sst s2  }
0x8f: {  	_ = 	snop  }
0x90: {  	(tm) =	ssettm $0x1  }
0x91: {  	s17 =	sld [smem:$0x3FFB];
	_ =	sdelay $0x3  }
0x92: {  	_ =	strace s17  }
0x93: {  	s2 =	sld [smem:$0x3FFC];
	_ =	sdelay $0x3  }
0x94: {  	_ =	strace s2  }
0x95: {  	s2 =	sld [smem:$0x3FFD];
	_ =	sdelay $0x3  }
0x96: {  	_ =	strace s2  }
0x97: {  	_ =	strace $0x8FFFFFFF  }
0x98: {  	s18 =	sld [smem:$0x3FDB];
	_ =	sdelay $0x1  }
0x99: {  	s19 =	simm.s32 $_scs_section_size  }
0x9a: {  	s4 =	simm.s32 $_size__tile_overlayer_lowered;
	s5 =	simm.s32 $_tile_overlayer_lowered  }
0x9b: {  	s22 =	simm.s32 $0x1BFF;
	s21 =	sshll.u32 s5, $0x1;
	s2 =	sadd.s32 s19, s18  }
0x9c: {  	s6 =	simm.s32 $0x0;
	s20 =	sshll.u32 s4, $0x1;
	s4 =	sadd.s32 s21, s2  }
0x9d: {  	[timem:s6], [sflag:s22] =	dma.local [hbm:s4], s20  }
0x9e: {  	_ =	swait.ge [sflag:s22], s20  }
0x9f: {  	s3 =	ssub.s32 $0x0, s20;
	[sflag:s22] =	ssyncset.done $0x0  }
0xa0: {  	[sflag:s22] =	ssyncadd.s32 s3;
	_ =	sdelay $0x1  }
0xa1: {  	s23 =	simm.s32 $0x1B8B  }
0xa2: {  	_ =	swait.ge [sflag:s23], $0x1  }
0xa3: {  	[sflag:s23] =	ssyncset.done $0x0  }
0xa4: {  	s25 =	simm.s32 $0x1B8E;
	s24 =	sld [smem:$0x3FFE];
	[sflag:s23] =	ssyncadd.s32 $0xFFFFFFFF  }
0xa5: {  	s26 =	simm.s32 $execute0_lowered;
	[smem:$0x3FD2] =	sst s25  }
0xa6: {  	s4 =	sshll.u32 s26, $0x1;
	_ =	strace $0x80000046;
	[dreg:$0x1] =	wrdreg $0xFFFFFFFF  }
0xa7: {  	s28 =	simm.s32 $_size_execute0_lowered;
	s2 =	sadd.s32 s2, s4;
	[dreg:$0x0] =	wrdreg $0x0  }
0xa8: {  	s4 =	sshll.u32 s28, $0x1;
	[dreg:$0x2] =	wrdreg s2  }
0xa9: {  	[dreg:$0x3] =	wrdreg s4  }
0xaa: {  	[dreg:$0x4] =	wrdreg $0xC0  }
0xab: {  	_ =	task [dreg:s6], $0x5FFFF  }
0xac: {  	[dreg:$0x1] =	wrdreg $0xFFFFFFFF  }
0xad: {  	[dreg:$0x0] =	wrdreg $0x60  }
0xae: {  	[dreg:$0x2] =	wrdreg s24  }
0xaf: {  	[dreg:$0x3] =	wrdreg $0x40800  }
0xb0: {  	[dreg:$0x4] =	wrdreg $0x9  }
0xb1: {  	_ =	task.clear_ibuf [dreg:s6], $0x5FFFF;
	_ =	strace $0x90000046  }
0xb2: {  	s29 =	simm.s32 $0x9;
	_ =	strace $0x80000048  }
0xb3: {  	_ =	swait.ge [sflag:s29], $0x1  }
0xb4: {  	[sflag:s29] =	ssyncadd.s32 $0xFFFFFFFF  }
0xb5: {  	_ =	strace $0x90000048  }
0xb6: {  	_ =	sfence  }
0xb7: {  	s30 =	sld [smem:$0x0];
	_ =	sdelay $0x2  }
0xb8: {  	s31 =	sshll.u32 s1, $0xD;
	s1 =	sshrl.u32 s1, $0x2  }
0xb9: {  	s3 =	sand.u32 $0x4000, s31;
	s1 =	sadd.s32 s1, s30  }
0xba: {  	s0 =	sor.u32 s3, s0;
	s1 =	sshll.u32 s1, $0x11  }
0xbb: {  	s0 =	sor.u32 s1, s0  }
0xbc: {  	s0 =	sadd.s32 $0x8F2B, s0  }
0xbd: {  	[sflag:s0] =	ssyncadd.remote.s32 $0x1  }
0xbe: {  	_ =	sfence.sel $0xFFFF  }
0xbf: {  	[dreg:$0x0] =	wrdreg $0xFFFFFFFF;
	(pc) =	sbr.abs _section_cstart, $3  }
0xc0: {  	[dreg:$0x1] =	wrdreg $0xFFFFFFFF  }
0xc1: {  	_ =	task.clear_ibuf [dreg:s6], $0x2FFFF;
	_ =	strace $0x9FFFFFFF  }
0xc2: {  	(tm) =	ssettm $0x7FFFFFFF  }
0xc3: {  	_ =	shalt  }
tec
execute0_lowered:
.L_overlay_start_1:
0x0: {  	(tag) =	ssettag $0x1  }
0x1: {  	s6 =	rddreg [dreg:$0x0]  }
0x2: {  	s2 =	rddreg [dreg:$0x1];
	s1 =	stileid.u32  }
0x3: {  	s0 =	rddreg [dreg:$0x2];
	s4 =	smul.u32 $0xA00, s1  }
0x4: {  	s3 =	simm.s32 $0x0;
	s5 =	srdreg.scid;
	s12 =	smul.u32 $0x280, s1  }
0x5: {  	[smem:$0x7FF] =	sst s3;
	s11 =	sand.u32 $0x1, s5;
	s8 =	smul.u32 $0x50000, s1  }
0x6: {  	s5 =	sadd.s32 $0xC800, s6;
	s15 =	sadd.s32 $0xD800, s6;
	s14 =	smul.u32 $0x2800, s11  }
0x7: {  	_ =	strace $0x80000047;
	s7 =	ssub.s32 $0x2, s11;
	s31 =	smul.u32 $0x500, s11  }
0x8: {  	s13 =	sadd.s32 s4, s6;
	s4 =	sadd.s32 $0xD000, s6;
	s22 =	sshrl.u32 s7, $0x1  }
0x9: {  	s23 =	sshrl.u32 s8, $0x2;
	s25 =	sadd.s32 $0x80, s12;
	s20 =	sadd.s32 $0x100, s12  }
0xa: {  	s9 =	sadd.s32 s14, s12;
	s10 =	ssub.s32 s7, s22;
	s6 =	sadd.s32 s23, s2  }
0xb: {  	s26 =	sadd.s32 s14, s25;
	s28 =	sadd.s32 s14, s20;
	s20 =	sshll.u32 s20, $0x7  }
0xc: {  	s22 =	sadd.s32 $0x180, s12;
	s12 =	sadd.s32 $0x200, s12;
	s13 =	sadd.s32 s31, s13  }
0xd: {  	s24 =	sshll.u32 s9, $0x4;
	s8 =	smax.u32 s10, $0x1;
	s16 =	sadd.s32 $0x4000, s6  }
0xe: {  	s17 =	sadd.s32 $0x8000, s6;
	s18 =	sadd.s32 $0xC000, s6;
	s19 =	sadd.s32 $0x10000, s6  }
0xf: {  	s9 =	sshll.u32 s25, $0x7;
	s10 =	sshll.u32 s26, $0x4;
	s23 =	sadd.s32 s20, s2  }
0x10: {  	s29 =	sshll.u32 s22, $0x7;
	s30 =	sadd.s32 s14, s22;
	s14 =	sadd.s32 s14, s12  }
0x11: {  	s12 =	sshll.u32 s12, $0x7;
	s13 =	sadd.s32 $0x2600, s13;
	s7 =	sadd.s32 s15, s24  }
0x12: {  	s21 =	sadd.s32 s9, s2;
	s9 =	sadd.s32 s15, s10;
	s10 =	sshll.u32 s28, $0x4  }
0x13: {  	s24 =	sadd.s32 s29, s2;
	s20 =	sshll.u32 s30, $0x4;
	s14 =	sshll.u32 s14, $0x4  }
0x14: {  	s25 =	sadd.s32 s12, s2;
	s16 =	sshrl.u32 s16, $0x3;
	s17 =	sshrl.u32 s17, $0x3  }
0x15: {  	s18 =	sshrl.u32 s18, $0x3;
	s19 =	sshrl.u32 s19, $0x3;
	s10 =	sadd.s32 s15, s10  }
0x16: {  	s11 =	sadd.s32 s15, s20;
	s12 =	sadd.s32 s15, s14;
	s14 =	simm.s32 $0x80  }
0x17: {  	s15 =	simm.s32 $0x1;
	s20 =	sshrl.u32 s21, $0x3;
	s21 =	sshrl.u32 s23, $0x3  }
0x18: {  	s22 =	sshrl.u32 s24, $0x3;
	s23 =	sshrl.u32 s25, $0x3;
	s24 =	simm.s32 $0x0  }
.LBB2_1:
0x19: {  	[tilespmem:s14], [sflag:$0x1] =	stream.linear.gather [hbm4b:s4+s3], $0x4000, $0x38;
	[tilespmem:$0x18080] =	vst v63  }
0x1a: {  	_ =	swait.ge [sflag:s15], $0x4000  }
0x1b: {  	s25 =	sshll.u32 s1, $0x6;
	[sflag:s15] =	ssyncset.done $0x0  }
0x1c: {  	s26 =	sshrl.u32 s6, $0x3;
	s25 =	sor.u32 $0x1C01, s25;
	[sflag:s15] =	ssyncadd.s32 $0xFFFFC000  }
0x1d: {  	[spmem:s26], [sflag:s25] =	dma.local [hbm:s5], $0x800  }
0x1e: {  	_ =	swait.ge [sflag:s15], $0x800  }
0x1f: {  	[sflag:s15] =	ssyncset.done $0x0  }
0x20: {  	[sflag:s15] =	ssyncadd.s32 $0xFFFFF800  }
0x21: {  	[spmem:s16], [sflag:s25] =	dma.local [hbm:s5], $0x800  }
0x22: {  	_ =	swait.ge [sflag:s15], $0x800  }
0x23: {  	[sflag:s15] =	ssyncset.done $0x0  }
0x24: {  	[sflag:s15] =	ssyncadd.s32 $0xFFFFF800  }
0x25: {  	[spmem:s17], [sflag:s25] =	dma.local [hbm:s5], $0x800  }
0x26: {  	_ =	swait.ge [sflag:s15], $0x800  }
0x27: {  	[sflag:s15] =	ssyncset.done $0x0  }
0x28: {  	[sflag:s15] =	ssyncadd.s32 $0xFFFFF800  }
0x29: {  	[spmem:s18], [sflag:s25] =	dma.local [hbm:s5], $0x800  }
0x2a: {  	_ =	swait.ge [sflag:s15], $0x800  }
0x2b: {  	[sflag:s15] =	ssyncset.done $0x0  }
0x2c: {  	[sflag:s15] =	ssyncadd.s32 $0xFFFFF800  }
0x2d: {  	[spmem:s19], [sflag:s25] =	dma.local [hbm:s5], $0x800  }
0x2e: {  	_ =	swait.ge [sflag:s15], $0x800  }
0x2f: {  	[sflag:s15] =	ssyncset.done $0x0  }
0x30: {  	[sflag:s15] =	ssyncadd.s32 $0xFFFFF800  }
0x31: {  	s28 =	sadd.s32 $0x0, s13;
	[bflag:$0x0] =	sbarrier.arrive $0xFFFF  }
0x32: {  	[tilespmem:s3], [sflag:$0x1] =	stream.linear.gather [hbm4b:s28+s3], $0x80, $0x38;
	[tilespmem:$0x18080] =	vst v63  }
0x33: {  	_ =	swait.ge [sflag:s15], $0x80  }
0x34: {  	[sflag:s15] =	ssyncset.done $0x0  }
0x35: {  	[sflag:s15] =	ssyncadd.s32 $0xFFFFFF80  }
0x36: {  	[spmem:s2] =	stream.indirect.scatter.add.f32 [tilespmem:s14], [sflag:$0x1], $0x80, s3, s14, $0xb8;
	[tilespmem:$0x18080] =	vst v63  }
0x37: {  	_ =	swait.ge [sflag:s15], $0x4000  }
0x38: {  	s29 =	simm.s32 $0x20;
	s28 =	simm.s32 $0x10;
	[sflag:s15] =	ssyncset.done $0x0  }
.LBB2_2:
0x39: {  	s30 =	sadd.s32 s28, s13  }
0x3a: {  	[sflag:s15] =	ssyncadd.s32 $0xFFFFC000;
	s28 =	smov.u32 s29;
	s31 =	sadd.s32 $0x10, s29  }
0x3b: {  	[tilespmem:s3], [sflag:$0x1] =	stream.linear.gather [hbm4b:s30+s3], $0x80, $0x38;
	[tilespmem:$0x18080] =	vst v63  }
0x3c: {  	p0 =	sne.s32 s29, $0x4F0;
	_ =	swait.ge [sflag:s15], $0x80  }
.Ltmp0:
0x3d: {  	[sflag:s15] =	ssyncset.done $0x0;
	(pc) =	sbr.rel @p0 .LBB2_2-.Ltmp0, $4  }
0x3e: {  	[sflag:s15] =	ssyncadd.s32 $0xFFFFFF80  }
0x3f: {  	[spmem:s2] =	stream.indirect.scatter.add.f32 [tilespmem:s14], [sflag:$0x1], $0x80, s3, s14, $0xb8;
	[tilespmem:$0x18080] =	vst v63  }
0x40: {  	_ =	swait.ge [sflag:s15], $0x4000  }
0x41: {  	s29 =	smov.u32 s31;
	[sflag:s15] =	ssyncset.done $0x0  }
0x42: {  	s28 =	sadd.s32 s28, s13;
	[sflag:s15] =	ssyncadd.s32 $0xFFFFC000  }
0x43: {  	[tilespmem:s3], [sflag:$0x1] =	stream.linear.gather [hbm4b:s28+s3], $0x80, $0x38;
	[tilespmem:$0x18080] =	vst v63  }
0x44: {  	_ =	swait.ge [sflag:s15], $0x80  }
0x45: {  	[sflag:s15] =	ssyncset.done $0x0  }
0x46: {  	[sflag:s15] =	ssyncadd.s32 $0xFFFFFF80  }
0x47: {  	[spmem:s2] =	stream.indirect.scatter.add.f32 [tilespmem:s14], [sflag:$0x1], $0x80, s3, s14, $0xb8;
	[tilespmem:$0x18080] =	vst v63  }
0x48: {  	_ =	swait.ge [sflag:s15], $0x4000  }
0x49: {  	[sflag:s15] =	ssyncset.done $0x0  }
0x4a: {  	[sflag:s15] =	ssyncadd.s32 $0xFFFFC000  }
0x4b: {  	[bflag:$0x0] =	sbarrier.arrive $0xFFFF  }
0x4c: {  	[hbm:s7], [sflag:s25] =	dma.local [spmem:s26], $0x800  }
0x4d: {  	_ =	swait.ge [sflag:s15], $0x800  }
0x4e: {  	[sflag:s15] =	ssyncset.done $0x0  }
0x4f: {  	[sflag:s15] =	ssyncadd.s32 $0xFFFFF800  }
0x50: {  	[hbm:s9], [sflag:s25] =	dma.local [spmem:s20], $0x800  }
0x51: {  	_ =	swait.ge [sflag:s15], $0x800  }
0x52: {  	[sflag:s15] =	ssyncset.done $0x0  }
0x53: {  	[sflag:s15] =	ssyncadd.s32 $0xFFFFF800  }
0x54: {  	[hbm:s10], [sflag:s25] =	dma.local [spmem:s21], $0x800  }
0x55: {  	_ =	swait.ge [sflag:s15], $0x800  }
0x56: {  	[sflag:s15] =	ssyncset.done $0x0  }
0x57: {  	[sflag:s15] =	ssyncadd.s32 $0xFFFFF800  }
0x58: {  	[hbm:s11], [sflag:s25] =	dma.local [spmem:s22], $0x800  }
0x59: {  	s24 =	sadd.s32 $0x1, s24;
	_ =	swait.ge [sflag:s15], $0x800  }
0x5a: {  	p0 =	sne.s32 s24, s8;
	[sflag:s15] =	ssyncset.done $0x0  }
.Ltmp1:
0x5b: {  	[sflag:s15] =	ssyncadd.s32 $0xFFFFF800;
	(pc) =	sbr.rel @p0 .LBB2_1-.Ltmp1, $4  }
0x5c: {  	[hbm:s12], [sflag:s25] =	dma.local [spmem:s23], $0x800  }
0x5d: {  	_ =	swait.ge [sflag:s15], $0x800  }
0x5e: {  	[sflag:s15] =	ssyncset.done $0x0  }
0x5f: {  	[sflag:s15] =	ssyncadd.s32 $0xFFFFF800  }
0x60: {  	_ =	sfence.sel $0x180000  }
0x61: {  	[bflag:$0x0] =	sbarrier.arrive $0xFFFF  }
0x62: {  	p0 =	sne.s32 s1, $0x0;
	_ =	strace $0x90000047  }
0x63: {  	s0 =	sadd.s32 @!p0 $0x100000, s0;
	[bflag:$0x2] =	sbarrier.arrive $0xFFFF  }
0x64: {  	[sflag:s0] =	ssyncadd.tile.s32 @!p0 $0x1;
	_ =	shalt  }
.Lfunc_end2:
_tile_overlayer_lowered:
.L_overlay_start_2:
0x65: {  	(tag) =	ssettag $0x2  }
0x66: {  	s0 =	rddreg [dreg:$0x0];
	s2 =	stileid.u32  }
0x67: {  	s1 =	rddreg [dreg:$0x1];
	p0 =	sne.s32 s2, $0x0  }
0x68: {  	s3 =	rddreg [dreg:$0x2];
	[bflag:$0x3] =	sbarrier.arrive $0xFFFF;
	s2 =	simm.s32 @!p0 $0x1C01  }
0x69: {  	[timem:s3], [sflag:s2] =	dma.local @!p0 [hbm:s0], s1  }
0x6a: {  	s0 =	simm.s32 @!p0 $0x1  }
0x6b: {  	_ =	swait.ge @!p0 [sflag:s0], s1  }
0x6c: {  	s1 =	ssub.s32 @!p0 $0x0, s1;
	[sflag:s0] =	ssyncset.done @!p0 $0x0  }
0x6d: {  	[sflag:s0] =	ssyncadd.s32 @!p0 s1  }
0x6e: {  	[bflag:$0x3] =	sbarrier.arrive $0xFFFF  }
0x6f: {  	_ =	shalt  }

</sc_bundles>
